<compile_context>
chip_gen: v7x
topology: tpu7x:2x2x1
jax: 0.10.2.dev20260603
libtpu: 0.0.44.dev20260713+nightly
codegen_flags: <defaults>
</compile_context>

<pallas_src>
import functools

import jax
import jax.numpy as jnp
from jax import lax
from jax.experimental import pallas as pl
from jax.experimental.pallas import tpu as pltpu
from jax.experimental.pallas import tpu_sc as plsc

VOCAB = 100000
EMBED = 128
HIDDEN = 1024
OUT = 256
BATCH = 16384
SEQ = 20

NC = 2
NS = 16
L = 16
NW = NC * NS

SEGB = 8
SEG = SEGB * SEQ
RING = 5
EV = EMBED // L

NCHUNKS = 1


def _sc_pool(x_flat, table, batch):
    bpw = batch // NW
    ipw = bpw * SEQ
    nseg = bpw // SEGB
    mesh = plsc.VectorSubcoreMesh(
        core_axis_name="c", subcore_axis_name="s", num_cores=NC,
        num_subcores=NS)

    @functools.partial(
        pl.kernel,
        out_type=jax.ShapeDtypeStruct((batch, EMBED), jnp.float32),
        mesh=mesh,
        scratch_types=[
            pltpu.VMEM((ipw,), jnp.int32),
            pltpu.VMEM((RING * SEG, EMBED), jnp.float32),
            pltpu.VMEM((RING * SEGB, EMBED), jnp.float32),
            pltpu.SemaphoreType.DMA,
            pltpu.SemaphoreType.DMA,
        ],
        compiler_params=pltpu.CompilerParams(needs_layout_passes=False),
    )
    def k(x_hbm, table_hbm, out_hbm, idx_v, rows_v, pooled_v, gsem, osem):
        wid = lax.axis_index("s") * NC + lax.axis_index("c")

        pltpu.sync_copy(
            x_hbm.at[pl.ds(pl.multiple_of(wid * ipw, 8), ipw)], idx_v)

        def fire_gather(s):
            start = pl.multiple_of(s * SEG, 8)
            slot = pl.multiple_of(lax.rem(s, RING) * SEG, 8)
            pltpu.async_copy(
                table_hbm.at[idx_v.at[pl.ds(start, SEG)]],
                rows_v.at[pl.ds(slot, SEG)],
                gsem,
            )

        for r in range(RING):
            fire_gather(r)

        def seg_body(s, carry):
            slot = lax.rem(s, RING)
            rbase = pl.multiple_of(slot * SEG, 8)
            pbase = pl.multiple_of(lax.rem(s, RING) * SEGB, 8)
            pltpu.make_async_copy(
                table_hbm.at[pl.ds(0, SEG)],
                rows_v.at[pl.ds(rbase, SEG)],
                gsem,
            ).wait()
            @pl.when(s >= RING)
            def _():
                pltpu.make_async_copy(
                    pooled_v.at[pl.ds(pbase, SEGB)],
                    out_hbm.at[pl.ds(0, SEGB)],
                    osem,
                ).wait()

            def pool_body(b, carry2):
                r0 = rbase + b * SEQ
                for d in range(EV):
                    col = pl.ds(d * L, L)
                    vals = [rows_v[r0 + j, col] for j in range(SEQ)]
                    while len(vals) > 1:
                        nxt = [vals[i] + vals[i + 1]
                               for i in range(0, len(vals) - 1, 2)]
                        if len(vals) % 2:
                            nxt.append(vals[-1])
                        vals = nxt
                    pooled_v[pbase + b, col] = vals[0]
                return carry2

            lax.fori_loop(0, SEGB, pool_body, 0)
            pltpu.async_copy(
                pooled_v.at[pl.ds(pbase, SEGB)],
                out_hbm.at[pl.ds(
                    pl.multiple_of(wid * bpw + s * SEGB, 8), SEGB)],
                osem,
            )

            @pl.when(s < nseg - RING)
            def _():
                fire_gather(s + RING)

            return carry

        lax.fori_loop(0, nseg, seg_body, 0)

        for r in range(RING):
            pltpu.make_async_copy(
                pooled_v.at[pl.ds(r * SEGB, SEGB)],
                out_hbm.at[pl.ds(0, SEGB)],
                osem,
            ).wait()

    return k(x_flat, table)


def _mlp(s, W1p, b1, W2, b2, batch):
    BB = 4096

    def body(s_ref, w1_ref, b1_ref, w2_ref, b2_ref, o_ref):
        sv = (0.5 + 0.5 * jnp.tanh(0.5 * s_ref[...])).astype(jnp.bfloat16)
        h = jnp.dot(sv, w1_ref[...],
                    preferred_element_type=jnp.float32) + b1_ref[...]
        h = (0.5 + 0.5 * jnp.tanh(0.5 * h)).astype(jnp.bfloat16)
        o_ref[...] = jnp.dot(h, w2_ref[...],
                             preferred_element_type=jnp.float32) + b2_ref[...]

    return pl.pallas_call(
        body,
        grid=(batch // BB,),
        in_specs=[
            pl.BlockSpec((BB, EMBED), lambda i: (i, 0)),
            pl.BlockSpec((EMBED, HIDDEN), lambda i: (0, 0)),
            pl.BlockSpec((1, HIDDEN), lambda i: (0, 0)),
            pl.BlockSpec((HIDDEN, OUT), lambda i: (0, 0)),
            pl.BlockSpec((1, OUT), lambda i: (0, 0)),
        ],
        out_specs=pl.BlockSpec((BB, OUT), lambda i: (i, 0)),
        out_shape=jax.ShapeDtypeStruct((batch, OUT), jnp.float32),
    )(s, W1p, b1.reshape(1, HIDDEN), W2, b2.reshape(1, OUT))


def kernel(x, table, W1, b1, W2, b2):
    W1b = W1.astype(jnp.bfloat16)
    W2b = W2.astype(jnp.bfloat16)
    x_flat = x.reshape(BATCH * SEQ)
    cb = BATCH // NCHUNKS
    if NCHUNKS == 1:
        return _mlp(_sc_pool(x_flat, table, BATCH), W1b, b1, W2b, b2, BATCH)
    ss = [_sc_pool(x_flat[i * cb * SEQ:(i + 1) * cb * SEQ], table, cb)
          for i in range(NCHUNKS)]
    outs = [_mlp(s, W1b, b1, W2b, b2, cb) for s in ss]
    return jnp.concatenate(outs, axis=0)

# --- scband reference (transcript-rebuilt; emitter-appended) ---
"""Pipeline reference for scband-dnn-model-72533407695219 (READ-ONLY COPY).

The authoritative reference and input builder live on the scoring server;
editing this copy changes nothing except your own understanding.
"""

import jax, jax.numpy as jnp
import numpy as np

VOCAB = 100000
EMBED = 128
HIDDEN = 1024
OUT = 256
BATCH = 16384
SEQ = 20

def setup_inputs(seed: int = 0) -> dict:
    key = jax.random.key(seed)
    k1, k2, k3, k4, k5, k6 = jax.random.split(key, 6)
    x = jax.random.randint(k1, (BATCH, SEQ), 0, VOCAB, dtype=jnp.int64 if jax.config.jax_enable_x64 else jnp.int32).astype(jnp.int32)
    table = jax.random.normal(k2, (VOCAB, EMBED), dtype=jnp.float32)
    W1 = jax.random.normal(k3, (EMBED, HIDDEN), dtype=jnp.float32) * (1.0 / np.sqrt(EMBED))
    b1 = jax.random.normal(k4, (HIDDEN,), dtype=jnp.float32) * 0.01
    W2 = jax.random.normal(k5, (HIDDEN, OUT), dtype=jnp.float32) * (1.0 / np.sqrt(HIDDEN))
    b2 = jax.random.normal(k6, (OUT,), dtype=jnp.float32) * 0.01
    return {"x": x, "table": table, "W1": W1, "b1": b1, "W2": W2, "b2": b2}

def reference(x, table, W1, b1, W2, b2):
    # embedding lookup: [B, S] -> [B, S, E]
    e = jnp.take(table, x, axis=0)
    # sum over sequence axis then sigmoid: [B, E]
    s = jax.nn.sigmoid(e.sum(axis=1))
    # fc -> sigmoid: [B, H]
    h = jax.nn.sigmoid(s @ W1 + b1)
    # output projection: [B, O]
    out = h @ W2 + b2
    return out

if __name__ == "__main__":
    import jax
    _d = setup_inputs()
    print(jax.jit(kernel)(*tuple(_d.values())))

</pallas_src>

<mosaic_0001>
#map = affine_map<(d0, d1) -> (0)>
#map1 = affine_map<(d0, d1) -> (0, 0)>
module attributes {stable_mosaic.version = 14 : i64} {
  func.func @k(%arg0: i32, %arg1: i32, %arg2: memref<327680xi32, #tpu.memory_space<hbm>>, %arg3: memref<100000x128xf32, #tpu.memory_space<hbm>>, %arg4: memref<16384x128xf32, #tpu.memory_space<hbm>>, %arg5: memref<10240xi32, #tpu.memory_space<vmem>>, %arg6: memref<800x128xf32, #tpu.memory_space<vmem>>, %arg7: memref<40x128xf32, #tpu.memory_space<vmem>>, %arg8: memref<!tpu.dma_semaphore, #tpu.memory_space<semaphore_mem>>, %arg9: memref<!tpu.dma_semaphore, #tpu.memory_space<semaphore_mem>>) attributes {dimension_semantics = [#tpu.dimension_semantics<core_parallel>, #tpu.dimension_semantics<subcore_parallel>], iteration_bounds = array<i64: 2, 16>, scalar_prefetch = 0 : i64, scratch_operands = 5 : i64, tpu.core_type = #tpu.core_type<sc_vector_subcore>, window_params = [{transform_indices = #map}, {transform_indices = #map1}, {transform_indices = #map1}]} {
    %mul3A = arith.constant 2 : i32
    %mul3A_0 = arith.muli %arg1, %mul3A : i32
    %add3A = arith.addi %mul3A_0, %arg0 : i32
    %mul3A_1 = arith.constant 10240 : i32
    %mul3A_2 = arith.muli %add3A, %mul3A_1 : i32
    %multiple_of3A = tpu.assume_multiple %mul3A_2, 8 : i32
    "tpu.region"() ({
      %run_scoped3A = tpu.sem_alloc : memref<!tpu.dma_semaphore, #tpu.memory_space<semaphore_mem>>
      %dma_start3A_135 = tpu.memref_slice %arg2[%multiple_of3A] : memref<327680xi32, #tpu.memory_space<hbm>> -> memref<10240xi32, #tpu.memory_space<hbm>>
      %dma_start3A_136 = tpu.memref_slice %arg2[%multiple_of3A] : memref<327680xi32, #tpu.memory_space<hbm>> -> memref<10240xi32, #tpu.memory_space<hbm>>
      tpu.enqueue_dma source(%dma_start3A_136 : memref<10240xi32, #tpu.memory_space<hbm>>) target(%arg5 : memref<10240xi32, #tpu.memory_space<vmem>>) target_semaphore(%run_scoped3A : memref<!tpu.dma_semaphore, #tpu.memory_space<semaphore_mem>>)
      %dma_wait3A_137 = tpu.memref_slice %arg2[%multiple_of3A] : memref<327680xi32, #tpu.memory_space<hbm>> -> memref<10240xi32, #tpu.memory_space<hbm>>
      %dma_wait3A_138 = tpu.memref_slice %arg2[%multiple_of3A] : memref<327680xi32, #tpu.memory_space<hbm>> -> memref<10240xi32, #tpu.memory_space<hbm>>
      tpu.wait_dma2 semaphore(%run_scoped3A : memref<!tpu.dma_semaphore, #tpu.memory_space<semaphore_mem>>) src(%dma_wait3A_138 : memref<10240xi32, #tpu.memory_space<hbm>>) dst(%arg5 : memref<10240xi32, #tpu.memory_space<vmem>>)
      tpu.yield
    }) : () -> ()
    %multiple_of3A_3 = arith.constant 0 : i32
    %multiple_of3A_4 = tpu.assume_multiple %multiple_of3A_3, 8 : i32
    %rem3A = arith.constant 0 : i32
    %rem3A_5 = arith.constant 5 : i32
    %rem3A_6 = arith.remsi %rem3A, %rem3A_5 : i32
    %mul3A_7 = arith.constant 160 : i32
    %mul3A_8 = arith.muli %rem3A_6, %mul3A_7 : i32
    %multiple_of3A_9 = tpu.assume_multiple %mul3A_8, 8 : i32
    %dma_start3A = arith.constant 0 : i32
    %dma_start3A_10 = tpu.memref_slice %arg6[%multiple_of3A_9, %dma_start3A] : memref<800x128xf32, #tpu.memory_space<vmem>> -> memref<160x128xf32, #tpu.memory_space<vmem>>
    %dma_start3A_11 = tpu.memref_slice %arg5[%multiple_of3A_4] : memref<10240xi32, #tpu.memory_space<vmem>> -> memref<160xi32, #tpu.memory_space<vmem>>
    %dma_start3A_12 = arith.constant 0 : i32
    %dma_start3A_13 = arith.constant 0 : i32
    %dma_start3A_14 = tpu.memref_slice %arg3[%dma_start3A_12, %dma_start3A_13] : memref<100000x128xf32, #tpu.memory_space<hbm>> -> memref<100000x128xf32, #tpu.memory_space<hbm>>
    tpu.enqueue_indirect_dma source(%dma_start3A_14 : memref<100000x128xf32, #tpu.memory_space<hbm>>) target(%dma_start3A_10 : memref<160x128xf32, #tpu.memory_space<vmem>>) offsets(%dma_start3A_11 : memref<160xi32, #tpu.memory_space<vmem>>) semaphore(%arg8 : memref<!tpu.dma_semaphore, #tpu.memory_space<semaphore_mem>>)
    %multiple_of3A_15 = arith.constant 160 : i32
    %multiple_of3A_16 = tpu.assume_multiple %multiple_of3A_15, 8 : i32
    %rem3A_17 = arith.constant 1 : i32
    %rem3A_18 = arith.constant 5 : i32
    %rem3A_19 = arith.remsi %rem3A_17, %rem3A_18 : i32
    %mul3A_20 = arith.constant 160 : i32
    %mul3A_21 = arith.muli %rem3A_19, %mul3A_20 : i32
    %multiple_of3A_22 = tpu.assume_multiple %mul3A_21, 8 : i32
    %dma_start3A_23 = arith.constant 0 : i32
    %dma_start3A_24 = tpu.memref_slice %arg6[%multiple_of3A_22, %dma_start3A_23] : memref<800x128xf32, #tpu.memory_space<vmem>> -> memref<160x128xf32, #tpu.memory_space<vmem>>
    %dma_start3A_25 = tpu.memref_slice %arg5[%multiple_of3A_16] : memref<10240xi32, #tpu.memory_space<vmem>> -> memref<160xi32, #tpu.memory_space<vmem>>
    %dma_start3A_26 = arith.constant 0 : i32
    %dma_start3A_27 = arith.constant 0 : i32
    %dma_start3A_28 = tpu.memref_slice %arg3[%dma_start3A_26, %dma_start3A_27] : memref<100000x128xf32, #tpu.memory_space<hbm>> -> memref<100000x128xf32, #tpu.memory_space<hbm>>
    tpu.enqueue_indirect_dma source(%dma_start3A_28 : memref<100000x128xf32, #tpu.memory_space<hbm>>) target(%dma_start3A_24 : memref<160x128xf32, #tpu.memory_space<vmem>>) offsets(%dma_start3A_25 : memref<160xi32, #tpu.memory_space<vmem>>) semaphore(%arg8 : memref<!tpu.dma_semaphore, #tpu.memory_space<semaphore_mem>>)
    %multiple_of3A_29 = arith.constant 320 : i32
    %multiple_of3A_30 = tpu.assume_multiple %multiple_of3A_29, 8 : i32
    %rem3A_31 = arith.constant 2 : i32
    %rem3A_32 = arith.constant 5 : i32
    %rem3A_33 = arith.remsi %rem3A_31, %rem3A_32 : i32
    %mul3A_34 = arith.constant 160 : i32
    %mul3A_35 = arith.muli %rem3A_33, %mul3A_34 : i32
    %multiple_of3A_36 = tpu.assume_multiple %mul3A_35, 8 : i32
    %dma_start3A_37 = arith.constant 0 : i32
    %dma_start3A_38 = tpu.memref_slice %arg6[%multiple_of3A_36, %dma_start3A_37] : memref<800x128xf32, #tpu.memory_space<vmem>> -> memref<160x128xf32, #tpu.memory_space<vmem>>
    %dma_start3A_39 = tpu.memref_slice %arg5[%multiple_of3A_30] : memref<10240xi32, #tpu.memory_space<vmem>> -> memref<160xi32, #tpu.memory_space<vmem>>
    %dma_start3A_40 = arith.constant 0 : i32
    %dma_start3A_41 = arith.constant 0 : i32
    %dma_start3A_42 = tpu.memref_slice %arg3[%dma_start3A_40, %dma_start3A_41] : memref<100000x128xf32, #tpu.memory_space<hbm>> -> memref<100000x128xf32, #tpu.memory_space<hbm>>
    tpu.enqueue_indirect_dma source(%dma_start3A_42 : memref<100000x128xf32, #tpu.memory_space<hbm>>) target(%dma_start3A_38 : memref<160x128xf32, #tpu.memory_space<vmem>>) offsets(%dma_start3A_39 : memref<160xi32, #tpu.memory_space<vmem>>) semaphore(%arg8 : memref<!tpu.dma_semaphore, #tpu.memory_space<semaphore_mem>>)
    %multiple_of3A_43 = arith.constant 480 : i32
    %multiple_of3A_44 = tpu.assume_multiple %multiple_of3A_43, 8 : i32
    %rem3A_45 = arith.constant 3 : i32
    %rem3A_46 = arith.constant 5 : i32
    %rem3A_47 = arith.remsi %rem3A_45, %rem3A_46 : i32
    %mul3A_48 = arith.constant 160 : i32
    %mul3A_49 = arith.muli %rem3A_47, %mul3A_48 : i32
    %multiple_of3A_50 = tpu.assume_multiple %mul3A_49, 8 : i32
    %dma_start3A_51 = arith.constant 0 : i32
    %dma_start3A_52 = tpu.memref_slice %arg6[%multiple_of3A_50, %dma_start3A_51] : memref<800x128xf32, #tpu.memory_space<vmem>> -> memref<160x128xf32, #tpu.memory_space<vmem>>
    %dma_start3A_53 = tpu.memref_slice %arg5[%multiple_of3A_44] : memref<10240xi32, #tpu.memory_space<vmem>> -> memref<160xi32, #tpu.memory_space<vmem>>
    %dma_start3A_54 = arith.constant 0 : i32
    %dma_start3A_55 = arith.constant 0 : i32
    %dma_start3A_56 = tpu.memref_slice %arg3[%dma_start3A_54, %dma_start3A_55] : memref<100000x128xf32, #tpu.memory_space<hbm>> -> memref<100000x128xf32, #tpu.memory_space<hbm>>
    tpu.enqueue_indirect_dma source(%dma_start3A_56 : memref<100000x128xf32, #tpu.memory_space<hbm>>) target(%dma_start3A_52 : memref<160x128xf32, #tpu.memory_space<vmem>>) offsets(%dma_start3A_53 : memref<160xi32, #tpu.memory_space<vmem>>) semaphore(%arg8 : memref<!tpu.dma_semaphore, #tpu.memory_space<semaphore_mem>>)
    %multiple_of3A_57 = arith.constant 640 : i32
    %multiple_of3A_58 = tpu.assume_multiple %multiple_of3A_57, 8 : i32
    %rem3A_59 = arith.constant 4 : i32
    %rem3A_60 = arith.constant 5 : i32
    %rem3A_61 = arith.remsi %rem3A_59, %rem3A_60 : i32
    %mul3A_62 = arith.constant 160 : i32
    %mul3A_63 = arith.muli %rem3A_61, %mul3A_62 : i32
    %multiple_of3A_64 = tpu.assume_multiple %mul3A_63, 8 : i32
    %dma_start3A_65 = arith.constant 0 : i32
    %dma_start3A_66 = tpu.memref_slice %arg6[%multiple_of3A_64, %dma_start3A_65] : memref<800x128xf32, #tpu.memory_space<vmem>> -> memref<160x128xf32, #tpu.memory_space<vmem>>
    %dma_start3A_67 = tpu.memref_slice %arg5[%multiple_of3A_58] : memref<10240xi32, #tpu.memory_space<vmem>> -> memref<160xi32, #tpu.memory_space<vmem>>
    %dma_start3A_68 = arith.constant 0 : i32
    %dma_start3A_69 = arith.constant 0 : i32
    %dma_start3A_70 = tpu.memref_slice %arg3[%dma_start3A_68, %dma_start3A_69] : memref<100000x128xf32, #tpu.memory_space<hbm>> -> memref<100000x128xf32, #tpu.memory_space<hbm>>
    tpu.enqueue_indirect_dma source(%dma_start3A_70 : memref<100000x128xf32, #tpu.memory_space<hbm>>) target(%dma_start3A_66 : memref<160x128xf32, #tpu.memory_space<vmem>>) offsets(%dma_start3A_67 : memref<160xi32, #tpu.memory_space<vmem>>) semaphore(%arg8 : memref<!tpu.dma_semaphore, #tpu.memory_space<semaphore_mem>>)
    %scan3A = arith.constant 0 : i32
    %scan3A_71 = arith.constant 0 : i32
    %scan3A_72 = arith.constant 64 : i32
    %scan3A_73 = arith.addi %scan3A_71, %scan3A_72 : i32
    %scan3A_74 = arith.constant 1 : i32
    scf.for %scan3A_135 = %scan3A_71 to %scan3A_73 step %scan3A_74  : i32 {
      %rem3A_136 = arith.constant 5 : i32
      %rem3A_137 = arith.remsi %scan3A_135, %rem3A_136 : i32
      %mul3A_138 = arith.constant 160 : i32
      %mul3A_139 = arith.muli %rem3A_137, %mul3A_138 : i32
      %multiple_of3A_140 = tpu.assume_multiple %mul3A_139, 8 : i32
      %rem3A_141 = arith.constant 5 : i32
      %rem3A_142 = arith.remsi %scan3A_135, %rem3A_141 : i32
      %mul3A_143 = arith.constant 8 : i32
      %mul3A_144 = arith.muli %rem3A_142, %mul3A_143 : i32
      %multiple_of3A_145 = tpu.assume_multiple %mul3A_144, 8 : i32
      %dma_wait3A_146 = arith.constant 0 : i32
      %dma_wait3A_147 = tpu.memref_slice %arg6[%multiple_of3A_140, %dma_wait3A_146] : memref<800x128xf32, #tpu.memory_space<vmem>> -> memref<160x128xf32, #tpu.memory_space<vmem>>
      %dma_wait3A_148 = arith.constant 0 : i32
      %dma_wait3A_149 = arith.constant 0 : i32
      %dma_wait3A_150 = tpu.memref_slice %arg3[%dma_wait3A_148, %dma_wait3A_149] : memref<100000x128xf32, #tpu.memory_space<hbm>> -> memref<160x128xf32, #tpu.memory_space<hbm>>
      %dma_wait3A_151 = arith.constant 0 : i32
      %dma_wait3A_152 = tpu.memref_slice %arg6[%multiple_of3A_140, %dma_wait3A_151] : memref<800x128xf32, #tpu.memory_space<vmem>> -> memref<160x128xf32, #tpu.memory_space<vmem>>
      %dma_wait3A_153 = arith.constant 0 : i32
      %dma_wait3A_154 = arith.constant 0 : i32
      %dma_wait3A_155 = tpu.memref_slice %arg3[%dma_wait3A_153, %dma_wait3A_154] : memref<100000x128xf32, #tpu.memory_space<hbm>> -> memref<160x128xf32, #tpu.memory_space<hbm>>
      tpu.wait_dma2 semaphore(%arg8 : memref<!tpu.dma_semaphore, #tpu.memory_space<semaphore_mem>>) src(%dma_wait3A_155 : memref<160x128xf32, #tpu.memory_space<hbm>>) dst(%dma_wait3A_152 : memref<160x128xf32, #tpu.memory_space<vmem>>)
      %ge3A = arith.constant 5 : i32
      %ge3A_156 = arith.cmpi sge, %scan3A_135, %ge3A : i32
      %convert_element_type3A = arith.extui %ge3A_156 : i1 to i32
      %cond3A = arith.constant 0 : i32
      %cond3A_157 = arith.cmpi ne, %convert_element_type3A, %cond3A : i32
      scf.if %cond3A_157 {
        %dma_wait3A_182 = arith.constant 0 : i32
        %dma_wait3A_183 = tpu.memref_slice %arg7[%multiple_of3A_145, %dma_wait3A_182] : memref<40x128xf32, #tpu.memory_space<vmem>> -> memref<8x128xf32, #tpu.memory_space<vmem>>
        %dma_wait3A_184 = arith.constant 0 : i32
        %dma_wait3A_185 = arith.constant 0 : i32
        %dma_wait3A_186 = tpu.memref_slice %arg4[%dma_wait3A_184, %dma_wait3A_185] : memref<16384x128xf32, #tpu.memory_space<hbm>> -> memref<8x128xf32, #tpu.memory_space<hbm>>
        %dma_wait3A_187 = arith.constant 0 : i32
        %dma_wait3A_188 = arith.constant 0 : i32
        %dma_wait3A_189 = tpu.memref_slice %arg4[%dma_wait3A_187, %dma_wait3A_188] : memref<16384x128xf32, #tpu.memory_space<hbm>> -> memref<8x128xf32, #tpu.memory_space<hbm>>
        %dma_wait3A_190 = arith.constant 0 : i32
        %dma_wait3A_191 = tpu.memref_slice %arg7[%multiple_of3A_145, %dma_wait3A_190] : memref<40x128xf32, #tpu.memory_space<vmem>> -> memref<8x128xf32, #tpu.memory_space<vmem>>
        tpu.wait_dma2 semaphore(%arg9 : memref<!tpu.dma_semaphore, #tpu.memory_space<semaphore_mem>>) src(%dma_wait3A_191 : memref<8x128xf32, #tpu.memory_space<vmem>>) dst(%dma_wait3A_189 : memref<8x128xf32, #tpu.memory_space<hbm>>)
      } else {
      }
      %scan3A_158 = arith.constant 0 : i32
      %scan3A_159 = arith.constant 0 : i32
      %scan3A_160 = arith.constant 8 : i32
      %scan3A_161 = arith.addi %scan3A_159, %scan3A_160 : i32
      %scan3A_162 = arith.constant 1 : i32
      scf.for %scan3A_182 = %scan3A_159 to %scan3A_161 step %scan3A_162  : i32 {
        %mul3A_183 = arith.constant 20 : i32
        %mul3A_184 = arith.muli %scan3A_182, %mul3A_183 : i32
        %add3A_185 = arith.addi %multiple_of3A_140, %mul3A_184 : i32
        %add3A_186 = arith.constant 0 : i32
        %add3A_187 = arith.addi %add3A_185, %add3A_186 : i32
        %get3A = arith.index_cast %add3A_187 : i32 to index
        %get3A_188 = arith.constant 0 : index
        %get3A_189 = tpu.vector_load %arg6[%get3A, %get3A_188] {strides = array<i32>} : memref<800x128xf32, #tpu.memory_space<vmem>>, vector<16xf32>,
        %add3A_190 = arith.constant 1 : i32
        %add3A_191 = arith.addi %add3A_185, %add3A_190 : i32
        %get3A_192 = arith.index_cast %add3A_191 : i32 to index
        %get3A_193 = arith.constant 0 : index
        %get3A_194 = tpu.vector_load %arg6[%get3A_192, %get3A_193] {strides = array<i32>} : memref<800x128xf32, #tpu.memory_space<vmem>>, vector<16xf32>,
        %add3A_195 = arith.constant 2 : i32
        %add3A_196 = arith.addi %add3A_185, %add3A_195 : i32
        %get3A_197 = arith.index_cast %add3A_196 : i32 to index
        %get3A_198 = arith.constant 0 : index
        %get3A_199 = tpu.vector_load %arg6[%get3A_197, %get3A_198] {strides = array<i32>} : memref<800x128xf32, #tpu.memory_space<vmem>>, vector<16xf32>,
        %add3A_200 = arith.constant 3 : i32
        %add3A_201 = arith.addi %add3A_185, %add3A_200 : i32
        %get3A_202 = arith.index_cast %add3A_201 : i32 to index
        %get3A_203 = arith.constant 0 : index
        %get3A_204 = tpu.vector_load %arg6[%get3A_202, %get3A_203] {strides = array<i32>} : memref<800x128xf32, #tpu.memory_space<vmem>>, vector<16xf32>,
        %add3A_205 = arith.constant 4 : i32
        %add3A_206 = arith.addi %add3A_185, %add3A_205 : i32
        %get3A_207 = arith.index_cast %add3A_206 : i32 to index
        %get3A_208 = arith.constant 0 : index
        %get3A_209 = tpu.vector_load %arg6[%get3A_207, %get3A_208] {strides = array<i32>} : memref<800x128xf32, #tpu.memory_space<vmem>>, vector<16xf32>,
        %add3A_210 = arith.constant 5 : i32
        %add3A_211 = arith.addi %add3A_185, %add3A_210 : i32
        %get3A_212 = arith.index_cast %add3A_211 : i32 to index
        %get3A_213 = arith.constant 0 : index
        %get3A_214 = tpu.vector_load %arg6[%get3A_212, %get3A_213] {strides = array<i32>} : memref<800x128xf32, #tpu.memory_space<vmem>>, vector<16xf32>,
        %add3A_215 = arith.constant 6 : i32
        %add3A_216 = arith.addi %add3A_185, %add3A_215 : i32
        %get3A_217 = arith.index_cast %add3A_216 : i32 to index
        %get3A_218 = arith.constant 0 : index
        %get3A_219 = tpu.vector_load %arg6[%get3A_217, %get3A_218] {strides = array<i32>} : memref<800x128xf32, #tpu.memory_space<vmem>>, vector<16xf32>,
        %add3A_220 = arith.constant 7 : i32
        %add3A_221 = arith.addi %add3A_185, %add3A_220 : i32
        %get3A_222 = arith.index_cast %add3A_221 : i32 to index
        %get3A_223 = arith.constant 0 : index
        %get3A_224 = tpu.vector_load %arg6[%get3A_222, %get3A_223] {strides = array<i32>} : memref<800x128xf32, #tpu.memory_space<vmem>>, vector<16xf32>,
        %add3A_225 = arith.constant 8 : i32
        %add3A_226 = arith.addi %add3A_185, %add3A_225 : i32
        %get3A_227 = arith.index_cast %add3A_226 : i32 to index
        %get3A_228 = arith.constant 0 : index
        %get3A_229 = tpu.vector_load %arg6[%get3A_227, %get3A_228] {strides = array<i32>} : memref<800x128xf32, #tpu.memory_space<vmem>>, vector<16xf32>,
        %add3A_230 = arith.constant 9 : i32
        %add3A_231 = arith.addi %add3A_185, %add3A_230 : i32
        %get3A_232 = arith.index_cast %add3A_231 : i32 to index
        %get3A_233 = arith.constant 0 : index
        %get3A_234 = tpu.vector_load %arg6[%get3A_232, %get3A_233] {strides = array<i32>} : memref<800x128xf32, #tpu.memory_space<vmem>>, vector<16xf32>,
        %add3A_235 = arith.constant 10 : i32
        %add3A_236 = arith.addi %add3A_185, %add3A_235 : i32
        %get3A_237 = arith.index_cast %add3A_236 : i32 to index
        %get3A_238 = arith.constant 0 : index
        %get3A_239 = tpu.vector_load %arg6[%get3A_237, %get3A_238] {strides = array<i32>} : memref<800x128xf32, #tpu.memory_space<vmem>>, vector<16xf32>,
        %add3A_240 = arith.constant 11 : i32
        %add3A_241 = arith.addi %add3A_185, %add3A_240 : i32
        %get3A_242 = arith.index_cast %add3A_241 : i32 to index
        %get3A_243 = arith.constant 0 : index
        %get3A_244 = tpu.vector_load %arg6[%get3A_242, %get3A_243] {strides = array<i32>} : memref<800x128xf32, #tpu.memory_space<vmem>>, vector<16xf32>,
        %add3A_245 = arith.constant 12 : i32
        %add3A_246 = arith.addi %add3A_185, %add3A_245 : i32
        %get3A_247 = arith.index_cast %add3A_246 : i32 to index
        %get3A_248 = arith.constant 0 : index
        %get3A_249 = tpu.vector_load %arg6[%get3A_247, %get3A_248] {strides = array<i32>} : memref<800x128xf32, #tpu.memory_space<vmem>>, vector<16xf32>,
        %add3A_250 = arith.constant 13 : i32
        %add3A_251 = arith.addi %add3A_185, %add3A_250 : i32
        %get3A_252 = arith.index_cast %add3A_251 : i32 to index
        %get3A_253 = arith.constant 0 : index
        %get3A_254 = tpu.vector_load %arg6[%get3A_252, %get3A_253] {strides = array<i32>} : memref<800x128xf32, #tpu.memory_space<vmem>>, vector<16xf32>,
        %add3A_255 = arith.constant 14 : i32
        %add3A_256 = arith.addi %add3A_185, %add3A_255 : i32
        %get3A_257 = arith.index_cast %add3A_256 : i32 to index
        %get3A_258 = arith.constant 0 : index
        %get3A_259 = tpu.vector_load %arg6[%get3A_257, %get3A_258] {strides = array<i32>} : memref<800x128xf32, #tpu.memory_space<vmem>>, vector<16xf32>,
        %add3A_260 = arith.constant 15 : i32
        %add3A_261 = arith.addi %add3A_185, %add3A_260 : i32
        %get3A_262 = arith.index_cast %add3A_261 : i32 to index
        %get3A_263 = arith.constant 0 : index
        %get3A_264 = tpu.vector_load %arg6[%get3A_262, %get3A_263] {strides = array<i32>} : memref<800x128xf32, #tpu.memory_space<vmem>>, vector<16xf32>,
        %add3A_265 = arith.constant 16 : i32
        %add3A_266 = arith.addi %add3A_185, %add3A_265 : i32
        %get3A_267 = arith.index_cast %add3A_266 : i32 to index
        %get3A_268 = arith.constant 0 : index
        %get3A_269 = tpu.vector_load %arg6[%get3A_267, %get3A_268] {strides = array<i32>} : memref<800x128xf32, #tpu.memory_space<vmem>>, vector<16xf32>,
        %add3A_270 = arith.constant 17 : i32
        %add3A_271 = arith.addi %add3A_185, %add3A_270 : i32
        %get3A_272 = arith.index_cast %add3A_271 : i32 to index
        %get3A_273 = arith.constant 0 : index
        %get3A_274 = tpu.vector_load %arg6[%get3A_272, %get3A_273] {strides = array<i32>} : memref<800x128xf32, #tpu.memory_space<vmem>>, vector<16xf32>,
        %add3A_275 = arith.constant 18 : i32
        %add3A_276 = arith.addi %add3A_185, %add3A_275 : i32
        %get3A_277 = arith.index_cast %add3A_276 : i32 to index
        %get3A_278 = arith.constant 0 : index
        %get3A_279 = tpu.vector_load %arg6[%get3A_277, %get3A_278] {strides = array<i32>} : memref<800x128xf32, #tpu.memory_space<vmem>>, vector<16xf32>,
        %add3A_280 = arith.constant 19 : i32
        %add3A_281 = arith.addi %add3A_185, %add3A_280 : i32
        %get3A_282 = arith.index_cast %add3A_281 : i32 to index
        %get3A_283 = arith.constant 0 : index
        %get3A_284 = tpu.vector_load %arg6[%get3A_282, %get3A_283] {strides = array<i32>} : memref<800x128xf32, #tpu.memory_space<vmem>>, vector<16xf32>,
        %add3A_285 = arith.addf %get3A_189, %get3A_194 : vector<16xf32>
        %add3A_286 = arith.addf %get3A_199, %get3A_204 : vector<16xf32>
        %add3A_287 = arith.addf %get3A_209, %get3A_214 : vector<16xf32>
        %add3A_288 = arith.addf %get3A_219, %get3A_224 : vector<16xf32>
        %add3A_289 = arith.addf %get3A_229, %get3A_234 : vector<16xf32>
        %add3A_290 = arith.addf %get3A_239, %get3A_244 : vector<16xf32>
        %add3A_291 = arith.addf %get3A_249, %get3A_254 : vector<16xf32>
        %add3A_292 = arith.addf %get3A_259, %get3A_264 : vector<16xf32>
        %add3A_293 = arith.addf %get3A_269, %get3A_274 : vector<16xf32>
        %add3A_294 = arith.addf %get3A_279, %get3A_284 : vector<16xf32>
        %add3A_295 = arith.addf %add3A_285, %add3A_286 : vector<16xf32>
        %add3A_296 = arith.addf %add3A_287, %add3A_288 : vector<16xf32>
        %add3A_297 = arith.addf %add3A_289, %add3A_290 : vector<16xf32>
        %add3A_298 = arith.addf %add3A_291, %add3A_292 : vector<16xf32>
        %add3A_299 = arith.addf %add3A_293, %add3A_294 : vector<16xf32>
        %add3A_300 = arith.addf %add3A_295, %add3A_296 : vector<16xf32>
        %add3A_301 = arith.addf %add3A_297, %add3A_298 : vector<16xf32>
        %add3A_302 = arith.addf %add3A_300, %add3A_301 : vector<16xf32>
        %add3A_303 = arith.addf %add3A_302, %add3A_299 : vector<16xf32>
        %add3A_304 = arith.addi %multiple_of3A_145, %scan3A_182 : i32
        %swap3A = arith.index_cast %add3A_304 : i32 to index
        %swap3A_305 = arith.constant 0 : index
        %swap3A_306 = tpu.vector_load %arg7[%swap3A, %swap3A_305] {strides = array<i32>} : memref<40x128xf32, #tpu.memory_space<vmem>>, vector<16xf32>,
        tpu.vector_store %arg7[%swap3A, %swap3A_305], %add3A_303 {strides = array<i32>} : memref<40x128xf32, #tpu.memory_space<vmem>>, vector<16xf32>,
        %add3A_307 = arith.constant 0 : i32
        %add3A_308 = arith.addi %add3A_185, %add3A_307 : i32
        %get3A_309 = arith.index_cast %add3A_308 : i32 to index
        %get3A_310 = arith.constant 16 : index
        %get3A_311 = tpu.vector_load %arg6[%get3A_309, %get3A_310] {strides = array<i32>} : memref<800x128xf32, #tpu.memory_space<vmem>>, vector<16xf32>,
        %add3A_312 = arith.constant 1 : i32
        %add3A_313 = arith.addi %add3A_185, %add3A_312 : i32
        %get3A_314 = arith.index_cast %add3A_313 : i32 to index
        %get3A_315 = arith.constant 16 : index
        %get3A_316 = tpu.vector_load %arg6[%get3A_314, %get3A_315] {strides = array<i32>} : memref<800x128xf32, #tpu.memory_space<vmem>>, vector<16xf32>,
        %add3A_317 = arith.constant 2 : i32
        %add3A_318 = arith.addi %add3A_185, %add3A_317 : i32
        %get3A_319 = arith.index_cast %add3A_318 : i32 to index
        %get3A_320 = arith.constant 16 : index
        %get3A_321 = tpu.vector_load %arg6[%get3A_319, %get3A_320] {strides = array<i32>} : memref<800x128xf32, #tpu.memory_space<vmem>>, vector<16xf32>,
        %add3A_322 = arith.constant 3 : i32
        %add3A_323 = arith.addi %add3A_185, %add3A_322 : i32
        %get3A_324 = arith.index_cast %add3A_323 : i32 to index
        %get3A_325 = arith.constant 16 : index
        %get3A_326 = tpu.vector_load %arg6[%get3A_324, %get3A_325] {strides = array<i32>} : memref<800x128xf32, #tpu.memory_space<vmem>>, vector<16xf32>,
        %add3A_327 = arith.constant 4 : i32
        %add3A_328 = arith.addi %add3A_185, %add3A_327 : i32
        %get3A_329 = arith.index_cast %add3A_328 : i32 to index
        %get3A_330 = arith.constant 16 : index
        %get3A_331 = tpu.vector_load %arg6[%get3A_329, %get3A_330] {strides = array<i32>} : memref<800x128xf32, #tpu.memory_space<vmem>>, vector<16xf32>,
        %add3A_332 = arith.constant 5 : i32
        %add3A_333 = arith.addi %add3A_185, %add3A_332 : i32
        %get3A_334 = arith.index_cast %add3A_333 : i32 to index
        %get3A_335 = arith.constant 16 : index
        %get3A_336 = tpu.vector_load %arg6[%get3A_334, %get3A_335] {strides = array<i32>} : memref<800x128xf32, #tpu.memory_space<vmem>>, vector<16xf32>,
        %add3A_337 = arith.constant 6 : i32
        %add3A_338 = arith.addi %add3A_185, %add3A_337 : i32
        %get3A_339 = arith.index_cast %add3A_338 : i32 to index
        %get3A_340 = arith.constant 16 : index
        %get3A_341 = tpu.vector_load %arg6[%get3A_339, %get3A_340] {strides = array<i32>} : memref<800x128xf32, #tpu.memory_space<vmem>>, vector<16xf32>,
        %add3A_342 = arith.constant 7 : i32
        %add3A_343 = arith.addi %add3A_185, %add3A_342 : i32
        %get3A_344 = arith.index_cast %add3A_343 : i32 to index
        %get3A_345 = arith.constant 16 : index
        %get3A_346 = tpu.vector_load %arg6[%get3A_344, %get3A_345] {strides = array<i32>} : memref<800x128xf32, #tpu.memory_space<vmem>>, vector<16xf32>,
        %add3A_347 = arith.constant 8 : i32
        %add3A_348 = arith.addi %add3A_185, %add3A_347 : i32
        %get3A_349 = arith.index_cast %add3A_348 : i32 to index
        %get3A_350 = arith.constant 16 : index
        %get3A_351 = tpu.vector_load %arg6[%get3A_349, %get3A_350] {strides = array<i32>} : memref<800x128xf32, #tpu.memory_space<vmem>>, vector<16xf32>,
        %add3A_352 = arith.constant 9 : i32
        %add3A_353 = arith.addi %add3A_185, %add3A_352 : i32
        %get3A_354 = arith.index_cast %add3A_353 : i32 to index
        %get3A_355 = arith.constant 16 : index
        %get3A_356 = tpu.vector_load %arg6[%get3A_354, %get3A_355] {strides = array<i32>} : memref<800x128xf32, #tpu.memory_space<vmem>>, vector<16xf32>,
        %add3A_357 = arith.constant 10 : i32
        %add3A_358 = arith.addi %add3A_185, %add3A_357 : i32
        %get3A_359 = arith.index_cast %add3A_358 : i32 to index
        %get3A_360 = arith.constant 16 : index
        %get3A_361 = tpu.vector_load %arg6[%get3A_359, %get3A_360] {strides = array<i32>} : memref<800x128xf32, #tpu.memory_space<vmem>>, vector<16xf32>,
        %add3A_362 = arith.constant 11 : i32
        %add3A_363 = arith.addi %add3A_185, %add3A_362 : i32
        %get3A_364 = arith.index_cast %add3A_363 : i32 to index
        %get3A_365 = arith.constant 16 : index
        %get3A_366 = tpu.vector_load %arg6[%get3A_364, %get3A_365] {strides = array<i32>} : memref<800x128xf32, #tpu.memory_space<vmem>>, vector<16xf32>,
        %add3A_367 = arith.constant 12 : i32
        %add3A_368 = arith.addi %add3A_185, %add3A_367 : i32
        %get3A_369 = arith.index_cast %add3A_368 : i32 to index
        %get3A_370 = arith.constant 16 : index
        %get3A_371 = tpu.vector_load %arg6[%get3A_369, %get3A_370] {strides = array<i32>} : memref<800x128xf32, #tpu.memory_space<vmem>>, vector<16xf32>,
        %add3A_372 = arith.constant 13 : i32
        %add3A_373 = arith.addi %add3A_185, %add3A_372 : i32
        %get3A_374 = arith.index_cast %add3A_373 : i32 to index
        %get3A_375 = arith.constant 16 : index
        %get3A_376 = tpu.vector_load %arg6[%get3A_374, %get3A_375] {strides = array<i32>} : memref<800x128xf32, #tpu.memory_space<vmem>>, vector<16xf32>,
        %add3A_377 = arith.constant 14 : i32
        %add3A_378 = arith.addi %add3A_185, %add3A_377 : i32
        %get3A_379 = arith.index_cast %add3A_378 : i32 to index
        %get3A_380 = arith.constant 16 : index
        %get3A_381 = tpu.vector_load %arg6[%get3A_379, %get3A_380] {strides = array<i32>} : memref<800x128xf32, #tpu.memory_space<vmem>>, vector<16xf32>,
        %add3A_382 = arith.constant 15 : i32
        %add3A_383 = arith.addi %add3A_185, %add3A_382 : i32
        %get3A_384 = arith.index_cast %add3A_383 : i32 to index
        %get3A_385 = arith.constant 16 : index
        %get3A_386 = tpu.vector_load %arg6[%get3A_384, %get3A_385] {strides = array<i32>} : memref<800x128xf32, #tpu.memory_space<vmem>>, vector<16xf32>,
        %add3A_387 = arith.constant 16 : i32
        %add3A_388 = arith.addi %add3A_185, %add3A_387 : i32
        %get3A_389 = arith.index_cast %add3A_388 : i32 to index
        %get3A_390 = arith.constant 16 : index
        %get3A_391 = tpu.vector_load %arg6[%get3A_389, %get3A_390] {strides = array<i32>} : memref<800x128xf32, #tpu.memory_space<vmem>>, vector<16xf32>,
        %add3A_392 = arith.constant 17 : i32
        %add3A_393 = arith.addi %add3A_185, %add3A_392 : i32
        %get3A_394 = arith.index_cast %add3A_393 : i32 to index
        %get3A_395 = arith.constant 16 : index
        %get3A_396 = tpu.vector_load %arg6[%get3A_394, %get3A_395] {strides = array<i32>} : memref<800x128xf32, #tpu.memory_space<vmem>>, vector<16xf32>,
        %add3A_397 = arith.constant 18 : i32
        %add3A_398 = arith.addi %add3A_185, %add3A_397 : i32
        %get3A_399 = arith.index_cast %add3A_398 : i32 to index
        %get3A_400 = arith.constant 16 : index
        %get3A_401 = tpu.vector_load %arg6[%get3A_399, %get3A_400] {strides = array<i32>} : memref<800x128xf32, #tpu.memory_space<vmem>>, vector<16xf32>,
        %add3A_402 = arith.constant 19 : i32
        %add3A_403 = arith.addi %add3A_185, %add3A_402 : i32
        %get3A_404 = arith.index_cast %add3A_403 : i32 to index
        %get3A_405 = arith.constant 16 : index
        %get3A_406 = tpu.vector_load %arg6[%get3A_404, %get3A_405] {strides = array<i32>} : memref<800x128xf32, #tpu.memory_space<vmem>>, vector<16xf32>,
        %add3A_407 = arith.addf %get3A_311, %get3A_316 : vector<16xf32>
        %add3A_408 = arith.addf %get3A_321, %get3A_326 : vector<16xf32>
        %add3A_409 = arith.addf %get3A_331, %get3A_336 : vector<16xf32>
        %add3A_410 = arith.addf %get3A_341, %get3A_346 : vector<16xf32>
        %add3A_411 = arith.addf %get3A_351, %get3A_356 : vector<16xf32>
        %add3A_412 = arith.addf %get3A_361, %get3A_366 : vector<16xf32>
        %add3A_413 = arith.addf %get3A_371, %get3A_376 : vector<16xf32>
        %add3A_414 = arith.addf %get3A_381, %get3A_386 : vector<16xf32>
        %add3A_415 = arith.addf %get3A_391, %get3A_396 : vector<16xf32>
        %add3A_416 = arith.addf %get3A_401, %get3A_406 : vector<16xf32>
        %add3A_417 = arith.addf %add3A_407, %add3A_408 : vector<16xf32>
        %add3A_418 = arith.addf %add3A_409, %add3A_410 : vector<16xf32>
        %add3A_419 = arith.addf %add3A_411, %add3A_412 : vector<16xf32>
        %add3A_420 = arith.addf %add3A_413, %add3A_414 : vector<16xf32>
        %add3A_421 = arith.addf %add3A_415, %add3A_416 : vector<16xf32>
        %add3A_422 = arith.addf %add3A_417, %add3A_418 : vector<16xf32>
        %add3A_423 = arith.addf %add3A_419, %add3A_420 : vector<16xf32>
        %add3A_424 = arith.addf %add3A_422, %add3A_423 : vector<16xf32>
        %add3A_425 = arith.addf %add3A_424, %add3A_421 : vector<16xf32>
        %add3A_426 = arith.addi %multiple_of3A_145, %scan3A_182 : i32
        %swap3A_427 = arith.index_cast %add3A_426 : i32 to index
        %swap3A_428 = arith.constant 16 : index
        %swap3A_429 = tpu.vector_load %arg7[%swap3A_427, %swap3A_428] {strides = array<i32>} : memref<40x128xf32, #tpu.memory_space<vmem>>, vector<16xf32>,
        tpu.vector_store %arg7[%swap3A_427, %swap3A_428], %add3A_425 {strides = array<i32>} : memref<40x128xf32, #tpu.memory_space<vmem>>, vector<16xf32>,
        %add3A_430 = arith.constant 0 : i32
        %add3A_431 = arith.addi %add3A_185, %add3A_430 : i32
        %get3A_432 = arith.index_cast %add3A_431 : i32 to index
        %get3A_433 = arith.constant 32 : index
        %get3A_434 = tpu.vector_load %arg6[%get3A_432, %get3A_433] {strides = array<i32>} : memref<800x128xf32, #tpu.memory_space<vmem>>, vector<16xf32>,
        %add3A_435 = arith.constant 1 : i32
        %add3A_436 = arith.addi %add3A_185, %add3A_435 : i32
        %get3A_437 = arith.index_cast %add3A_436 : i32 to index
        %get3A_438 = arith.constant 32 : index
        %get3A_439 = tpu.vector_load %arg6[%get3A_437, %get3A_438] {strides = array<i32>} : memref<800x128xf32, #tpu.memory_space<vmem>>, vector<16xf32>,
        %add3A_440 = arith.constant 2 : i32
        %add3A_441 = arith.addi %add3A_185, %add3A_440 : i32
        %get3A_442 = arith.index_cast %add3A_441 : i32 to index
        %get3A_443 = arith.constant 32 : index
        %get3A_444 = tpu.vector_load %arg6[%get3A_442, %get3A_443] {strides = array<i32>} : memref<800x128xf32, #tpu.memory_space<vmem>>, vector<16xf32>,
        %add3A_445 = arith.constant 3 : i32
        %add3A_446 = arith.addi %add3A_185, %add3A_445 : i32
        %get3A_447 = arith.index_cast %add3A_446 : i32 to index
        %get3A_448 = arith.constant 32 : index
        %get3A_449 = tpu.vector_load %arg6[%get3A_447, %get3A_448] {strides = array<i32>} : memref<800x128xf32, #tpu.memory_space<vmem>>, vector<16xf32>,
        %add3A_450 = arith.constant 4 : i32
        %add3A_451 = arith.addi %add3A_185, %add3A_450 : i32
        %get3A_452 = arith.index_cast %add3A_451 : i32 to index
        %get3A_453 = arith.constant 32 : index
        %get3A_454 = tpu.vector_load %arg6[%get3A_452, %get3A_453] {strides = array<i32>} : memref<800x128xf32, #tpu.memory_space<vmem>>, vector<16xf32>,
        %add3A_455 = arith.constant 5 : i32
        %add3A_456 = arith.addi %add3A_185, %add3A_455 : i32
        %get3A_457 = arith.index_cast %add3A_456 : i32 to index
        %get3A_458 = arith.constant 32 : index
        %get3A_459 = tpu.vector_load %arg6[%get3A_457, %get3A_458] {strides = array<i32>} : memref<800x128xf32, #tpu.memory_space<vmem>>, vector<16xf32>,
        %add3A_460 = arith.constant 6 : i32
        %add3A_461 = arith.addi %add3A_185, %add3A_460 : i32
        %get3A_462 = arith.index_cast %add3A_461 : i32 to index
        %get3A_463 = arith.constant 32 : index
        %get3A_464 = tpu.vector_load %arg6[%get3A_462, %get3A_463] {strides = array<i32>} : memref<800x128xf32, #tpu.memory_space<vmem>>, vector<16xf32>,
        %add3A_465 = arith.constant 7 : i32
        %add3A_466 = arith.addi %add3A_185, %add3A_465 : i32
        %get3A_467 = arith.index_cast %add3A_466 : i32 to index
        %get3A_468 = arith.constant 32 : index
        %get3A_469 = tpu.vector_load %arg6[%get3A_467, %get3A_468] {strides = array<i32>} : memref<800x128xf32, #tpu.memory_space<vmem>>, vector<16xf32>,
        %add3A_470 = arith.constant 8 : i32
        %add3A_471 = arith.addi %add3A_185, %add3A_470 : i32
        %get3A_472 = arith.index_cast %add3A_471 : i32 to index
        %get3A_473 = arith.constant 32 : index
        %get3A_474 = tpu.vector_load %arg6[%get3A_472, %get3A_473] {strides = array<i32>} : memref<800x128xf32, #tpu.memory_space<vmem>>, vector<16xf32>,
        %add3A_475 = arith.constant 9 : i32
        %add3A_476 = arith.addi %add3A_185, %add3A_475 : i32
        %get3A_477 = arith.index_cast %add3A_476 : i32 to index
        %get3A_478 = arith.constant 32 : index
        %get3A_479 = tpu.vector_load %arg6[%get3A_477, %get3A_478] {strides = array<i32>} : memref<800x128xf32, #tpu.memory_space<vmem>>, vector<16xf32>,
        %add3A_480 = arith.constant 10 : i32
        %add3A_481 = arith.addi %add3A_185, %add3A_480 : i32
        %get3A_482 = arith.index_cast %add3A_481 : i32 to index
        %get3A_483 = arith.constant 32 : index
        %get3A_484 = tpu.vector_load %arg6[%get3A_482, %get3A_483] {strides = array<i32>} : memref<800x128xf32, #tpu.memory_space<vmem>>, vector<16xf32>,
        %add3A_485 = arith.constant 11 : i32
        %add3A_486 = arith.addi %add3A_185, %add3A_485 : i32
        %get3A_487 = arith.index_cast %add3A_486 : i32 to index
        %get3A_488 = arith.constant 32 : index
        %get3A_489 = tpu.vector_load %arg6[%get3A_487, %get3A_488] {strides = array<i32>} : memref<800x128xf32, #tpu.memory_space<vmem>>, vector<16xf32>,
        %add3A_490 = arith.constant 12 : i32
        %add3A_491 = arith.addi %add3A_185, %add3A_490 : i32
        %get3A_492 = arith.index_cast %add3A_491 : i32 to index
        %get3A_493 = arith.constant 32 : index
        %get3A_494 = tpu.vector_load %arg6[%get3A_492, %get3A_493] {strides = array<i32>} : memref<800x128xf32, #tpu.memory_space<vmem>>, vector<16xf32>,
        %add3A_495 = arith.constant 13 : i32
        %add3A_496 = arith.addi %add3A_185, %add3A_495 : i32
        %get3A_497 = arith.index_cast %add3A_496 : i32 to index
        %get3A_498 = arith.constant 32 : index
        %get3A_499 = tpu.vector_load %arg6[%get3A_497, %get3A_498] {strides = array<i32>} : memref<800x128xf32, #tpu.memory_space<vmem>>, vector<16xf32>,
        %add3A_500 = arith.constant 14 : i32
        %add3A_501 = arith.addi %add3A_185, %add3A_500 : i32
        %get3A_502 = arith.index_cast %add3A_501 : i32 to index
        %get3A_503 = arith.constant 32 : index
        %get3A_504 = tpu.vector_load %arg6[%get3A_502, %get3A_503] {strides = array<i32>} : memref<800x128xf32, #tpu.memory_space<vmem>>, vector<16xf32>,
        %add3A_505 = arith.constant 15 : i32
        %add3A_506 = arith.addi %add3A_185, %add3A_505 : i32
        %get3A_507 = arith.index_cast %add3A_506 : i32 to index
        %get3A_508 = arith.constant 32 : index
        %get3A_509 = tpu.vector_load %arg6[%get3A_507, %get3A_508] {strides = array<i32>} : memref<800x128xf32, #tpu.memory_space<vmem>>, vector<16xf32>,
        %add3A_510 = arith.constant 16 : i32
        %add3A_511 = arith.addi %add3A_185, %add3A_510 : i32
        %get3A_512 = arith.index_cast %add3A_511 : i32 to index
        %get3A_513 = arith.constant 32 : index
        %get3A_514 = tpu.vector_load %arg6[%get3A_512, %get3A_513] {strides = array<i32>} : memref<800x128xf32, #tpu.memory_space<vmem>>, vector<16xf32>,
        %add3A_515 = arith.constant 17 : i32
        %add3A_516 = arith.addi %add3A_185, %add3A_515 : i32
        %get3A_517 = arith.index_cast %add3A_516 : i32 to index
        %get3A_518 = arith.constant 32 : index
        %get3A_519 = tpu.vector_load %arg6[%get3A_517, %get3A_518] {strides = array<i32>} : memref<800x128xf32, #tpu.memory_space<vmem>>, vector<16xf32>,
        %add3A_520 = arith.constant 18 : i32
        %add3A_521 = arith.addi %add3A_185, %add3A_520 : i32
        %get3A_522 = arith.index_cast %add3A_521 : i32 to index
        %get3A_523 = arith.constant 32 : index
        %get3A_524 = tpu.vector_load %arg6[%get3A_522, %get3A_523] {strides = array<i32>} : memref<800x128xf32, #tpu.memory_space<vmem>>, vector<16xf32>,
        %add3A_525 = arith.constant 19 : i32
        %add3A_526 = arith.addi %add3A_185, %add3A_525 : i32
        %get3A_527 = arith.index_cast %add3A_526 : i32 to index
        %get3A_528 = arith.constant 32 : index
        %get3A_529 = tpu.vector_load %arg6[%get3A_527, %get3A_528] {strides = array<i32>} : memref<800x128xf32, #tpu.memory_space<vmem>>, vector<16xf32>,
        %add3A_530 = arith.addf %get3A_434, %get3A_439 : vector<16xf32>
        %add3A_531 = arith.addf %get3A_444, %get3A_449 : vector<16xf32>
        %add3A_532 = arith.addf %get3A_454, %get3A_459 : vector<16xf32>
        %add3A_533 = arith.addf %get3A_464, %get3A_469 : vector<16xf32>
        %add3A_534 = arith.addf %get3A_474, %get3A_479 : vector<16xf32>
        %add3A_535 = arith.addf %get3A_484, %get3A_489 : vector<16xf32>
        %add3A_536 = arith.addf %get3A_494, %get3A_499 : vector<16xf32>
        %add3A_537 = arith.addf %get3A_504, %get3A_509 : vector<16xf32>
        %add3A_538 = arith.addf %get3A_514, %get3A_519 : vector<16xf32>
        %add3A_539 = arith.addf %get3A_524, %get3A_529 : vector<16xf32>
        %add3A_540 = arith.addf %add3A_530, %add3A_531 : vector<16xf32>
        %add3A_541 = arith.addf %add3A_532, %add3A_533 : vector<16xf32>
        %add3A_542 = arith.addf %add3A_534, %add3A_535 : vector<16xf32>
        %add3A_543 = arith.addf %add3A_536, %add3A_537 : vector<16xf32>
        %add3A_544 = arith.addf %add3A_538, %add3A_539 : vector<16xf32>
        %add3A_545 = arith.addf %add3A_540, %add3A_541 : vector<16xf32>
        %add3A_546 = arith.addf %add3A_542, %add3A_543 : vector<16xf32>
        %add3A_547 = arith.addf %add3A_545, %add3A_546 : vector<16xf32>
        %add3A_548 = arith.addf %add3A_547, %add3A_544 : vector<16xf32>
        %add3A_549 = arith.addi %multiple_of3A_145, %scan3A_182 : i32
        %swap3A_550 = arith.index_cast %add3A_549 : i32 to index
        %swap3A_551 = arith.constant 32 : index
        %swap3A_552 = tpu.vector_load %arg7[%swap3A_550, %swap3A_551] {strides = array<i32>} : memref<40x128xf32, #tpu.memory_space<vmem>>, vector<16xf32>,
        tpu.vector_store %arg7[%swap3A_550, %swap3A_551], %add3A_548 {strides = array<i32>} : memref<40x128xf32, #tpu.memory_space<vmem>>, vector<16xf32>,
        %add3A_553 = arith.constant 0 : i32
        %add3A_554 = arith.addi %add3A_185, %add3A_553 : i32
        %get3A_555 = arith.index_cast %add3A_554 : i32 to index
        %get3A_556 = arith.constant 48 : index
        %get3A_557 = tpu.vector_load %arg6[%get3A_555, %get3A_556] {strides = array<i32>} : memref<800x128xf32, #tpu.memory_space<vmem>>, vector<16xf32>,
        %add3A_558 = arith.constant 1 : i32
        %add3A_559 = arith.addi %add3A_185, %add3A_558 : i32
        %get3A_560 = arith.index_cast %add3A_559 : i32 to index
        %get3A_561 = arith.constant 48 : index
        %get3A_562 = tpu.vector_load %arg6[%get3A_560, %get3A_561] {strides = array<i32>} : memref<800x128xf32, #tpu.memory_space<vmem>>, vector<16xf32>,
        %add3A_563 = arith.constant 2 : i32
        %add3A_564 = arith.addi %add3A_185, %add3A_563 : i32
        %get3A_565 = arith.index_cast %add3A_564 : i32 to index
        %get3A_566 = arith.constant 48 : index
        %get3A_567 = tpu.vector_load %arg6[%get3A_565, %get3A_566] {strides = array<i32>} : memref<800x128xf32, #tpu.memory_space<vmem>>, vector<16xf32>,
        %add3A_568 = arith.constant 3 : i32
        %add3A_569 = arith.addi %add3A_185, %add3A_568 : i32
        %get3A_570 = arith.index_cast %add3A_569 : i32 to index
        %get3A_571 = arith.constant 48 : index
        %get3A_572 = tpu.vector_load %arg6[%get3A_570, %get3A_571] {strides = array<i32>} : memref<800x128xf32, #tpu.memory_space<vmem>>, vector<16xf32>,
        %add3A_573 = arith.constant 4 : i32
        %add3A_574 = arith.addi %add3A_185, %add3A_573 : i32
        %get3A_575 = arith.index_cast %add3A_574 : i32 to index
        %get3A_576 = arith.constant 48 : index
        %get3A_577 = tpu.vector_load %arg6[%get3A_575, %get3A_576] {strides = array<i32>} : memref<800x128xf32, #tpu.memory_space<vmem>>, vector<16xf32>,
        %add3A_578 = arith.constant 5 : i32
        %add3A_579 = arith.addi %add3A_185, %add3A_578 : i32
        %get3A_580 = arith.index_cast %add3A_579 : i32 to index
        %get3A_581 = arith.constant 48 : index
        %get3A_582 = tpu.vector_load %arg6[%get3A_580, %get3A_581] {strides = array<i32>} : memref<800x128xf32, #tpu.memory_space<vmem>>, vector<16xf32>,
        %add3A_583 = arith.constant 6 : i32
        %add3A_584 = arith.addi %add3A_185, %add3A_583 : i32
        %get3A_585 = arith.index_cast %add3A_584 : i32 to index
        %get3A_586 = arith.constant 48 : index
        %get3A_587 = tpu.vector_load %arg6[%get3A_585, %get3A_586] {strides = array<i32>} : memref<800x128xf32, #tpu.memory_space<vmem>>, vector<16xf32>,
        %add3A_588 = arith.constant 7 : i32
        %add3A_589 = arith.addi %add3A_185, %add3A_588 : i32
        %get3A_590 = arith.index_cast %add3A_589 : i32 to index
        %get3A_591 = arith.constant 48 : index
        %get3A_592 = tpu.vector_load %arg6[%get3A_590, %get3A_591] {strides = array<i32>} : memref<800x128xf32, #tpu.memory_space<vmem>>, vector<16xf32>,
        %add3A_593 = arith.constant 8 : i32
        %add3A_594 = arith.addi %add3A_185, %add3A_593 : i32
        %get3A_595 = arith.index_cast %add3A_594 : i32 to index
        %get3A_596 = arith.constant 48 : index
        %get3A_597 = tpu.vector_load %arg6[%get3A_595, %get3A_596] {strides = array<i32>} : memref<800x128xf32, #tpu.memory_space<vmem>>, vector<16xf32>,
        %add3A_598 = arith.constant 9 : i32
        %add3A_599 = arith.addi %add3A_185, %add3A_598 : i32
        %get3A_600 = arith.index_cast %add3A_599 : i32 to index
        %get3A_601 = arith.constant 48 : index
        %get3A_602 = tpu.vector_load %arg6[%get3A_600, %get3A_601] {strides = array<i32>} : memref<800x128xf32, #tpu.memory_space<vmem>>, vector<16xf32>,
        %add3A_603 = arith.constant 10 : i32
        %add3A_604 = arith.addi %add3A_185, %add3A_603 : i32
        %get3A_605 = arith.index_cast %add3A_604 : i32 to index
        %get3A_606 = arith.constant 48 : index
        %get3A_607 = tpu.vector_load %arg6[%get3A_605, %get3A_606] {strides = array<i32>} : memref<800x128xf32, #tpu.memory_space<vmem>>, vector<16xf32>,
        %add3A_608 = arith.constant 11 : i32
        %add3A_609 = arith.addi %add3A_185, %add3A_608 : i32
        %get3A_610 = arith.index_cast %add3A_609 : i32 to index
        %get3A_611 = arith.constant 48 : index
        %get3A_612 = tpu.vector_load %arg6[%get3A_610, %get3A_611] {strides = array<i32>} : memref<800x128xf32, #tpu.memory_space<vmem>>, vector<16xf32>,
        %add3A_613 = arith.constant 12 : i32
        %add3A_614 = arith.addi %add3A_185, %add3A_613 : i32
        %get3A_615 = arith.index_cast %add3A_614 : i32 to index
        %get3A_616 = arith.constant 48 : index
        %get3A_617 = tpu.vector_load %arg6[%get3A_615, %get3A_616] {strides = array<i32>} : memref<800x128xf32, #tpu.memory_space<vmem>>, vector<16xf32>,
        %add3A_618 = arith.constant 13 : i32
        %add3A_619 = arith.addi %add3A_185, %add3A_618 : i32
        %get3A_620 = arith.index_cast %add3A_619 : i32 to index
        %get3A_621 = arith.constant 48 : index
        %get3A_622 = tpu.vector_load %arg6[%get3A_620, %get3A_621] {strides = array<i32>} : memref<800x128xf32, #tpu.memory_space<vmem>>, vector<16xf32>,
        %add3A_623 = arith.constant 14 : i32
        %add3A_624 = arith.addi %add3A_185, %add3A_623 : i32
        %get3A_625 = arith.index_cast %add3A_624 : i32 to index
        %get3A_626 = arith.constant 48 : index
        %get3A_627 = tpu.vector_load %arg6[%get3A_625, %get3A_626] {strides = array<i32>} : memref<800x128xf32, #tpu.memory_space<vmem>>, vector<16xf32>,
        %add3A_628 = arith.constant 15 : i32
        %add3A_629 = arith.addi %add3A_185, %add3A_628 : i32
        %get3A_630 = arith.index_cast %add3A_629 : i32 to index
        %get3A_631 = arith.constant 48 : index
        %get3A_632 = tpu.vector_load %arg6[%get3A_630, %get3A_631] {strides = array<i32>} : memref<800x128xf32, #tpu.memory_space<vmem>>, vector<16xf32>,
        %add3A_633 = arith.constant 16 : i32
        %add3A_634 = arith.addi %add3A_185, %add3A_633 : i32
        %get3A_635 = arith.index_cast %add3A_634 : i32 to index
        %get3A_636 = arith.constant 48 : index
        %get3A_637 = tpu.vector_load %arg6[%get3A_635, %get3A_636] {strides = array<i32>} : memref<800x128xf32, #tpu.memory_space<vmem>>, vector<16xf32>,
        %add3A_638 = arith.constant 17 : i32
        %add3A_639 = arith.addi %add3A_185, %add3A_638 : i32
        %get3A_640 = arith.index_cast %add3A_639 : i32 to index
        %get3A_641 = arith.constant 48 : index
        %get3A_642 = tpu.vector_load %arg6[%get3A_640, %get3A_641] {strides = array<i32>} : memref<800x128xf32, #tpu.memory_space<vmem>>, vector<16xf32>,
        %add3A_643 = arith.constant 18 : i32
        %add3A_644 = arith.addi %add3A_185, %add3A_643 : i32
        %get3A_645 = arith.index_cast %add3A_644 : i32 to index
        %get3A_646 = arith.constant 48 : index
        %get3A_647 = tpu.vector_load %arg6[%get3A_645, %get3A_646] {strides = array<i32>} : memref<800x128xf32, #tpu.memory_space<vmem>>, vector<16xf32>,
        %add3A_648 = arith.constant 19 : i32
        %add3A_649 = arith.addi %add3A_185, %add3A_648 : i32
        %get3A_650 = arith.index_cast %add3A_649 : i32 to index
        %get3A_651 = arith.constant 48 : index
        %get3A_652 = tpu.vector_load %arg6[%get3A_650, %get3A_651] {strides = array<i32>} : memref<800x128xf32, #tpu.memory_space<vmem>>, vector<16xf32>,
        %add3A_653 = arith.addf %get3A_557, %get3A_562 : vector<16xf32>
        %add3A_654 = arith.addf %get3A_567, %get3A_572 : vector<16xf32>
        %add3A_655 = arith.addf %get3A_577, %get3A_582 : vector<16xf32>
        %add3A_656 = arith.addf %get3A_587, %get3A_592 : vector<16xf32>
        %add3A_657 = arith.addf %get3A_597, %get3A_602 : vector<16xf32>
        %add3A_658 = arith.addf %get3A_607, %get3A_612 : vector<16xf32>
        %add3A_659 = arith.addf %get3A_617, %get3A_622 : vector<16xf32>
        %add3A_660 = arith.addf %get3A_627, %get3A_632 : vector<16xf32>
        %add3A_661 = arith.addf %get3A_637, %get3A_642 : vector<16xf32>
        %add3A_662 = arith.addf %get3A_647, %get3A_652 : vector<16xf32>
        %add3A_663 = arith.addf %add3A_653, %add3A_654 : vector<16xf32>
        %add3A_664 = arith.addf %add3A_655, %add3A_656 : vector<16xf32>
        %add3A_665 = arith.addf %add3A_657, %add3A_658 : vector<16xf32>
        %add3A_666 = arith.addf %add3A_659, %add3A_660 : vector<16xf32>
        %add3A_667 = arith.addf %add3A_661, %add3A_662 : vector<16xf32>
        %add3A_668 = arith.addf %add3A_663, %add3A_664 : vector<16xf32>
        %add3A_669 = arith.addf %add3A_665, %add3A_666 : vector<16xf32>
        %add3A_670 = arith.addf %add3A_668, %add3A_669 : vector<16xf32>
        %add3A_671 = arith.addf %add3A_670, %add3A_667 : vector<16xf32>
        %add3A_672 = arith.addi %multiple_of3A_145, %scan3A_182 : i32
        %swap3A_673 = arith.index_cast %add3A_672 : i32 to index
        %swap3A_674 = arith.constant 48 : index
        %swap3A_675 = tpu.vector_load %arg7[%swap3A_673, %swap3A_674] {strides = array<i32>} : memref<40x128xf32, #tpu.memory_space<vmem>>, vector<16xf32>,
        tpu.vector_store %arg7[%swap3A_673, %swap3A_674], %add3A_671 {strides = array<i32>} : memref<40x128xf32, #tpu.memory_space<vmem>>, vector<16xf32>,
        %add3A_676 = arith.constant 0 : i32
        %add3A_677 = arith.addi %add3A_185, %add3A_676 : i32
        %get3A_678 = arith.index_cast %add3A_677 : i32 to index
        %get3A_679 = arith.constant 64 : index
        %get3A_680 = tpu.vector_load %arg6[%get3A_678, %get3A_679] {strides = array<i32>} : memref<800x128xf32, #tpu.memory_space<vmem>>, vector<16xf32>,
        %add3A_681 = arith.constant 1 : i32
        %add3A_682 = arith.addi %add3A_185, %add3A_681 : i32
        %get3A_683 = arith.index_cast %add3A_682 : i32 to index
        %get3A_684 = arith.constant 64 : index
        %get3A_685 = tpu.vector_load %arg6[%get3A_683, %get3A_684] {strides = array<i32>} : memref<800x128xf32, #tpu.memory_space<vmem>>, vector<16xf32>,
        %add3A_686 = arith.constant 2 : i32
        %add3A_687 = arith.addi %add3A_185, %add3A_686 : i32
        %get3A_688 = arith.index_cast %add3A_687 : i32 to index
        %get3A_689 = arith.constant 64 : index
        %get3A_690 = tpu.vector_load %arg6[%get3A_688, %get3A_689] {strides = array<i32>} : memref<800x128xf32, #tpu.memory_space<vmem>>, vector<16xf32>,
        %add3A_691 = arith.constant 3 : i32
        %add3A_692 = arith.addi %add3A_185, %add3A_691 : i32
        %get3A_693 = arith.index_cast %add3A_692 : i32 to index
        %get3A_694 = arith.constant 64 : index
        %get3A_695 = tpu.vector_load %arg6[%get3A_693, %get3A_694] {strides = array<i32>} : memref<800x128xf32, #tpu.memory_space<vmem>>, vector<16xf32>,
        %add3A_696 = arith.constant 4 : i32
        %add3A_697 = arith.addi %add3A_185, %add3A_696 : i32
        %get3A_698 = arith.index_cast %add3A_697 : i32 to index
        %get3A_699 = arith.constant 64 : index
        %get3A_700 = tpu.vector_load %arg6[%get3A_698, %get3A_699] {strides = array<i32>} : memref<800x128xf32, #tpu.memory_space<vmem>>, vector<16xf32>,
        %add3A_701 = arith.constant 5 : i32
        %add3A_702 = arith.addi %add3A_185, %add3A_701 : i32
        %get3A_703 = arith.index_cast %add3A_702 : i32 to index
        %get3A_704 = arith.constant 64 : index
        %get3A_705 = tpu.vector_load %arg6[%get3A_703, %get3A_704] {strides = array<i32>} : memref<800x128xf32, #tpu.memory_space<vmem>>, vector<16xf32>,
        %add3A_706 = arith.constant 6 : i32
        %add3A_707 = arith.addi %add3A_185, %add3A_706 : i32
        %get3A_708 = arith.index_cast %add3A_707 : i32 to index
        %get3A_709 = arith.constant 64 : index
        %get3A_710 = tpu.vector_load %arg6[%get3A_708, %get3A_709] {strides = array<i32>} : memref<800x128xf32, #tpu.memory_space<vmem>>, vector<16xf32>,
        %add3A_711 = arith.constant 7 : i32
        %add3A_712 = arith.addi %add3A_185, %add3A_711 : i32
        %get3A_713 = arith.index_cast %add3A_712 : i32 to index
        %get3A_714 = arith.constant 64 : index
        %get3A_715 = tpu.vector_load %arg6[%get3A_713, %get3A_714] {strides = array<i32>} : memref<800x128xf32, #tpu.memory_space<vmem>>, vector<16xf32>,
        %add3A_716 = arith.constant 8 : i32
        %add3A_717 = arith.addi %add3A_185, %add3A_716 : i32
        %get3A_718 = arith.index_cast %add3A_717 : i32 to index
        %get3A_719 = arith.constant 64 : index
        %get3A_720 = tpu.vector_load %arg6[%get3A_718, %get3A_719] {strides = array<i32>} : memref<800x128xf32, #tpu.memory_space<vmem>>, vector<16xf32>,
        %add3A_721 = arith.constant 9 : i32
        %add3A_722 = arith.addi %add3A_185, %add3A_721 : i32
        %get3A_723 = arith.index_cast %add3A_722 : i32 to index
        %get3A_724 = arith.constant 64 : index
        %get3A_725 = tpu.vector_load %arg6[%get3A_723, %get3A_724] {strides = array<i32>} : memref<800x128xf32, #tpu.memory_space<vmem>>, vector<16xf32>,
        %add3A_726 = arith.constant 10 : i32
        %add3A_727 = arith.addi %add3A_185, %add3A_726 : i32
        %get3A_728 = arith.index_cast %add3A_727 : i32 to index
        %get3A_729 = arith.constant 64 : index
        %get3A_730 = tpu.vector_load %arg6[%get3A_728, %get3A_729] {strides = array<i32>} : memref<800x128xf32, #tpu.memory_space<vmem>>, vector<16xf32>,
        %add3A_731 = arith.constant 11 : i32
        %add3A_732 = arith.addi %add3A_185, %add3A_731 : i32
        %get3A_733 = arith.index_cast %add3A_732 : i32 to index
        %get3A_734 = arith.constant 64 : index
        %get3A_735 = tpu.vector_load %arg6[%get3A_733, %get3A_734] {strides = array<i32>} : memref<800x128xf32, #tpu.memory_space<vmem>>, vector<16xf32>,
        %add3A_736 = arith.constant 12 : i32
        %add3A_737 = arith.addi %add3A_185, %add3A_736 : i32
        %get3A_738 = arith.index_cast %add3A_737 : i32 to index
        %get3A_739 = arith.constant 64 : index
        %get3A_740 = tpu.vector_load %arg6[%get3A_738, %get3A_739] {strides = array<i32>} : memref<800x128xf32, #tpu.memory_space<vmem>>, vector<16xf32>,
        %add3A_741 = arith.constant 13 : i32
        %add3A_742 = arith.addi %add3A_185, %add3A_741 : i32
        %get3A_743 = arith.index_cast %add3A_742 : i32 to index
        %get3A_744 = arith.constant 64 : index
        %get3A_745 = tpu.vector_load %arg6[%get3A_743, %get3A_744] {strides = array<i32>} : memref<800x128xf32, #tpu.memory_space<vmem>>, vector<16xf32>,
        %add3A_746 = arith.constant 14 : i32
        %add3A_747 = arith.addi %add3A_185, %add3A_746 : i32
        %get3A_748 = arith.index_cast %add3A_747 : i32 to index
        %get3A_749 = arith.constant 64 : index
        %get3A_750 = tpu.vector_load %arg6[%get3A_748, %get3A_749] {strides = array<i32>} : memref<800x128xf32, #tpu.memory_space<vmem>>, vector<16xf32>,
        %add3A_751 = arith.constant 15 : i32
        %add3A_752 = arith.addi %add3A_185, %add3A_751 : i32
        %get3A_753 = arith.index_cast %add3A_752 : i32 to index
        %get3A_754 = arith.constant 64 : index
        %get3A_755 = tpu.vector_load %arg6[%get3A_753, %get3A_754] {strides = array<i32>} : memref<800x128xf32, #tpu.memory_space<vmem>>, vector<16xf32>,
        %add3A_756 = arith.constant 16 : i32
        %add3A_757 = arith.addi %add3A_185, %add3A_756 : i32
        %get3A_758 = arith.index_cast %add3A_757 : i32 to index
        %get3A_759 = arith.constant 64 : index
        %get3A_760 = tpu.vector_load %arg6[%get3A_758, %get3A_759] {strides = array<i32>} : memref<800x128xf32, #tpu.memory_space<vmem>>, vector<16xf32>,
        %add3A_761 = arith.constant 17 : i32
        %add3A_762 = arith.addi %add3A_185, %add3A_761 : i32
        %get3A_763 = arith.index_cast %add3A_762 : i32 to index
        %get3A_764 = arith.constant 64 : index
        %get3A_765 = tpu.vector_load %arg6[%get3A_763, %get3A_764] {strides = array<i32>} : memref<800x128xf32, #tpu.memory_space<vmem>>, vector<16xf32>,
        %add3A_766 = arith.constant 18 : i32
        %add3A_767 = arith.addi %add3A_185, %add3A_766 : i32
        %get3A_768 = arith.index_cast %add3A_767 : i32 to index
        %get3A_769 = arith.constant 64 : index
        %get3A_770 = tpu.vector_load %arg6[%get3A_768, %get3A_769] {strides = array<i32>} : memref<800x128xf32, #tpu.memory_space<vmem>>, vector<16xf32>,
        %add3A_771 = arith.constant 19 : i32
        %add3A_772 = arith.addi %add3A_185, %add3A_771 : i32
        %get3A_773 = arith.index_cast %add3A_772 : i32 to index
        %get3A_774 = arith.constant 64 : index
        %get3A_775 = tpu.vector_load %arg6[%get3A_773, %get3A_774] {strides = array<i32>} : memref<800x128xf32, #tpu.memory_space<vmem>>, vector<16xf32>,
        %add3A_776 = arith.addf %get3A_680, %get3A_685 : vector<16xf32>
        %add3A_777 = arith.addf %get3A_690, %get3A_695 : vector<16xf32>
        %add3A_778 = arith.addf %get3A_700, %get3A_705 : vector<16xf32>
        %add3A_779 = arith.addf %get3A_710, %get3A_715 : vector<16xf32>
        %add3A_780 = arith.addf %get3A_720, %get3A_725 : vector<16xf32>
        %add3A_781 = arith.addf %get3A_730, %get3A_735 : vector<16xf32>
        %add3A_782 = arith.addf %get3A_740, %get3A_745 : vector<16xf32>
        %add3A_783 = arith.addf %get3A_750, %get3A_755 : vector<16xf32>
        %add3A_784 = arith.addf %get3A_760, %get3A_765 : vector<16xf32>
        %add3A_785 = arith.addf %get3A_770, %get3A_775 : vector<16xf32>
        %add3A_786 = arith.addf %add3A_776, %add3A_777 : vector<16xf32>
        %add3A_787 = arith.addf %add3A_778, %add3A_779 : vector<16xf32>
        %add3A_788 = arith.addf %add3A_780, %add3A_781 : vector<16xf32>
        %add3A_789 = arith.addf %add3A_782, %add3A_783 : vector<16xf32>
        %add3A_790 = arith.addf %add3A_784, %add3A_785 : vector<16xf32>
        %add3A_791 = arith.addf %add3A_786, %add3A_787 : vector<16xf32>
        %add3A_792 = arith.addf %add3A_788, %add3A_789 : vector<16xf32>
        %add3A_793 = arith.addf %add3A_791, %add3A_792 : vector<16xf32>
        %add3A_794 = arith.addf %add3A_793, %add3A_790 : vector<16xf32>
        %add3A_795 = arith.addi %multiple_of3A_145, %scan3A_182 : i32
        %swap3A_796 = arith.index_cast %add3A_795 : i32 to index
        %swap3A_797 = arith.constant 64 : index
        %swap3A_798 = tpu.vector_load %arg7[%swap3A_796, %swap3A_797] {strides = array<i32>} : memref<40x128xf32, #tpu.memory_space<vmem>>, vector<16xf32>,
        tpu.vector_store %arg7[%swap3A_796, %swap3A_797], %add3A_794 {strides = array<i32>} : memref<40x128xf32, #tpu.memory_space<vmem>>, vector<16xf32>,
        %add3A_799 = arith.constant 0 : i32
        %add3A_800 = arith.addi %add3A_185, %add3A_799 : i32
        %get3A_801 = arith.index_cast %add3A_800 : i32 to index
        %get3A_802 = arith.constant 80 : index
        %get3A_803 = tpu.vector_load %arg6[%get3A_801, %get3A_802] {strides = array<i32>} : memref<800x128xf32, #tpu.memory_space<vmem>>, vector<16xf32>,
        %add3A_804 = arith.constant 1 : i32
        %add3A_805 = arith.addi %add3A_185, %add3A_804 : i32
        %get3A_806 = arith.index_cast %add3A_805 : i32 to index
        %get3A_807 = arith.constant 80 : index
        %get3A_808 = tpu.vector_load %arg6[%get3A_806, %get3A_807] {strides = array<i32>} : memref<800x128xf32, #tpu.memory_space<vmem>>, vector<16xf32>,
        %add3A_809 = arith.constant 2 : i32
        %add3A_810 = arith.addi %add3A_185, %add3A_809 : i32
        %get3A_811 = arith.index_cast %add3A_810 : i32 to index
        %get3A_812 = arith.constant 80 : index
        %get3A_813 = tpu.vector_load %arg6[%get3A_811, %get3A_812] {strides = array<i32>} : memref<800x128xf32, #tpu.memory_space<vmem>>, vector<16xf32>,
        %add3A_814 = arith.constant 3 : i32
        %add3A_815 = arith.addi %add3A_185, %add3A_814 : i32
        %get3A_816 = arith.index_cast %add3A_815 : i32 to index
        %get3A_817 = arith.constant 80 : index
        %get3A_818 = tpu.vector_load %arg6[%get3A_816, %get3A_817] {strides = array<i32>} : memref<800x128xf32, #tpu.memory_space<vmem>>, vector<16xf32>,
        %add3A_819 = arith.constant 4 : i32
        %add3A_820 = arith.addi %add3A_185, %add3A_819 : i32
        %get3A_821 = arith.index_cast %add3A_820 : i32 to index
        %get3A_822 = arith.constant 80 : index
        %get3A_823 = tpu.vector_load %arg6[%get3A_821, %get3A_822] {strides = array<i32>} : memref<800x128xf32, #tpu.memory_space<vmem>>, vector<16xf32>,
        %add3A_824 = arith.constant 5 : i32
        %add3A_825 = arith.addi %add3A_185, %add3A_824 : i32
        %get3A_826 = arith.index_cast %add3A_825 : i32 to index
        %get3A_827 = arith.constant 80 : index
        %get3A_828 = tpu.vector_load %arg6[%get3A_826, %get3A_827] {strides = array<i32>} : memref<800x128xf32, #tpu.memory_space<vmem>>, vector<16xf32>,
        %add3A_829 = arith.constant 6 : i32
        %add3A_830 = arith.addi %add3A_185, %add3A_829 : i32
        %get3A_831 = arith.index_cast %add3A_830 : i32 to index
        %get3A_832 = arith.constant 80 : index
        %get3A_833 = tpu.vector_load %arg6[%get3A_831, %get3A_832] {strides = array<i32>} : memref<800x128xf32, #tpu.memory_space<vmem>>, vector<16xf32>,
        %add3A_834 = arith.constant 7 : i32
        %add3A_835 = arith.addi %add3A_185, %add3A_834 : i32
        %get3A_836 = arith.index_cast %add3A_835 : i32 to index
        %get3A_837 = arith.constant 80 : index
        %get3A_838 = tpu.vector_load %arg6[%get3A_836, %get3A_837] {strides = array<i32>} : memref<800x128xf32, #tpu.memory_space<vmem>>, vector<16xf32>,
        %add3A_839 = arith.constant 8 : i32
        %add3A_840 = arith.addi %add3A_185, %add3A_839 : i32
        %get3A_841 = arith.index_cast %add3A_840 : i32 to index
        %get3A_842 = arith.constant 80 : index
        %get3A_843 = tpu.vector_load %arg6[%get3A_841, %get3A_842] {strides = array<i32>} : memref<800x128xf32, #tpu.memory_space<vmem>>, vector<16xf32>,
        %add3A_844 = arith.constant 9 : i32
        %add3A_845 = arith.addi %add3A_185, %add3A_844 : i32
        %get3A_846 = arith.index_cast %add3A_845 : i32 to index
        %get3A_847 = arith.constant 80 : index
        %get3A_848 = tpu.vector_load %arg6[%get3A_846, %get3A_847] {strides = array<i32>} : memref<800x128xf32, #tpu.memory_space<vmem>>, vector<16xf32>,
        %add3A_849 = arith.constant 10 : i32
        %add3A_850 = arith.addi %add3A_185, %add3A_849 : i32
        %get3A_851 = arith.index_cast %add3A_850 : i32 to index
        %get3A_852 = arith.constant 80 : index
        %get3A_853 = tpu.vector_load %arg6[%get3A_851, %get3A_852] {strides = array<i32>} : memref<800x128xf32, #tpu.memory_space<vmem>>, vector<16xf32>,
        %add3A_854 = arith.constant 11 : i32
        %add3A_855 = arith.addi %add3A_185, %add3A_854 : i32
        %get3A_856 = arith.index_cast %add3A_855 : i32 to index
        %get3A_857 = arith.constant 80 : index
        %get3A_858 = tpu.vector_load %arg6[%get3A_856, %get3A_857] {strides = array<i32>} : memref<800x128xf32, #tpu.memory_space<vmem>>, vector<16xf32>,
        %add3A_859 = arith.constant 12 : i32
        %add3A_860 = arith.addi %add3A_185, %add3A_859 : i32
        %get3A_861 = arith.index_cast %add3A_860 : i32 to index
        %get3A_862 = arith.constant 80 : index
        %get3A_863 = tpu.vector_load %arg6[%get3A_861, %get3A_862] {strides = array<i32>} : memref<800x128xf32, #tpu.memory_space<vmem>>, vector<16xf32>,
        %add3A_864 = arith.constant 13 : i32
        %add3A_865 = arith.addi %add3A_185, %add3A_864 : i32
        %get3A_866 = arith.index_cast %add3A_865 : i32 to index
        %get3A_867 = arith.constant 80 : index
        %get3A_868 = tpu.vector_load %arg6[%get3A_866, %get3A_867] {strides = array<i32>} : memref<800x128xf32, #tpu.memory_space<vmem>>, vector<16xf32>,
        %add3A_869 = arith.constant 14 : i32
        %add3A_870 = arith.addi %add3A_185, %add3A_869 : i32
        %get3A_871 = arith.index_cast %add3A_870 : i32 to index
        %get3A_872 = arith.constant 80 : index
        %get3A_873 = tpu.vector_load %arg6[%get3A_871, %get3A_872] {strides = array<i32>} : memref<800x128xf32, #tpu.memory_space<vmem>>, vector<16xf32>,
        %add3A_874 = arith.constant 15 : i32
        %add3A_875 = arith.addi %add3A_185, %add3A_874 : i32
        %get3A_876 = arith.index_cast %add3A_875 : i32 to index
        %get3A_877 = arith.constant 80 : index
        %get3A_878 = tpu.vector_load %arg6[%get3A_876, %get3A_877] {strides = array<i32>} : memref<800x128xf32, #tpu.memory_space<vmem>>, vector<16xf32>,
        %add3A_879 = arith.constant 16 : i32
        %add3A_880 = arith.addi %add3A_185, %add3A_879 : i32
        %get3A_881 = arith.index_cast %add3A_880 : i32 to index
        %get3A_882 = arith.constant 80 : index
        %get3A_883 = tpu.vector_load %arg6[%get3A_881, %get3A_882] {strides = array<i32>} : memref<800x128xf32, #tpu.memory_space<vmem>>, vector<16xf32>,
        %add3A_884 = arith.constant 17 : i32
        %add3A_885 = arith.addi %add3A_185, %add3A_884 : i32
        %get3A_886 = arith.index_cast %add3A_885 : i32 to index
        %get3A_887 = arith.constant 80 : index
        %get3A_888 = tpu.vector_load %arg6[%get3A_886, %get3A_887] {strides = array<i32>} : memref<800x128xf32, #tpu.memory_space<vmem>>, vector<16xf32>,
        %add3A_889 = arith.constant 18 : i32
        %add3A_890 = arith.addi %add3A_185, %add3A_889 : i32
        %get3A_891 = arith.index_cast %add3A_890 : i32 to index
        %get3A_892 = arith.constant 80 : index
        %get3A_893 = tpu.vector_load %arg6[%get3A_891, %get3A_892] {strides = array<i32>} : memref<800x128xf32, #tpu.memory_space<vmem>>, vector<16xf32>,
        %add3A_894 = arith.constant 19 : i32
        %add3A_895 = arith.addi %add3A_185, %add3A_894 : i32
        %get3A_896 = arith.index_cast %add3A_895 : i32 to index
        %get3A_897 = arith.constant 80 : index
        %get3A_898 = tpu.vector_load %arg6[%get3A_896, %get3A_897] {strides = array<i32>} : memref<800x128xf32, #tpu.memory_space<vmem>>, vector<16xf32>,
        %add3A_899 = arith.addf %get3A_803, %get3A_808 : vector<16xf32>
        %add3A_900 = arith.addf %get3A_813, %get3A_818 : vector<16xf32>
        %add3A_901 = arith.addf %get3A_823, %get3A_828 : vector<16xf32>
        %add3A_902 = arith.addf %get3A_833, %get3A_838 : vector<16xf32>
        %add3A_903 = arith.addf %get3A_843, %get3A_848 : vector<16xf32>
        %add3A_904 = arith.addf %get3A_853, %get3A_858 : vector<16xf32>
        %add3A_905 = arith.addf %get3A_863, %get3A_868 : vector<16xf32>
        %add3A_906 = arith.addf %get3A_873, %get3A_878 : vector<16xf32>
        %add3A_907 = arith.addf %get3A_883, %get3A_888 : vector<16xf32>
        %add3A_908 = arith.addf %get3A_893, %get3A_898 : vector<16xf32>
        %add3A_909 = arith.addf %add3A_899, %add3A_900 : vector<16xf32>
        %add3A_910 = arith.addf %add3A_901, %add3A_902 : vector<16xf32>
        %add3A_911 = arith.addf %add3A_903, %add3A_904 : vector<16xf32>
        %add3A_912 = arith.addf %add3A_905, %add3A_906 : vector<16xf32>
        %add3A_913 = arith.addf %add3A_907, %add3A_908 : vector<16xf32>
        %add3A_914 = arith.addf %add3A_909, %add3A_910 : vector<16xf32>
        %add3A_915 = arith.addf %add3A_911, %add3A_912 : vector<16xf32>
        %add3A_916 = arith.addf %add3A_914, %add3A_915 : vector<16xf32>
        %add3A_917 = arith.addf %add3A_916, %add3A_913 : vector<16xf32>
        %add3A_918 = arith.addi %multiple_of3A_145, %scan3A_182 : i32
        %swap3A_919 = arith.index_cast %add3A_918 : i32 to index
        %swap3A_920 = arith.constant 80 : index
        %swap3A_921 = tpu.vector_load %arg7[%swap3A_919, %swap3A_920] {strides = array<i32>} : memref<40x128xf32, #tpu.memory_space<vmem>>, vector<16xf32>,
        tpu.vector_store %arg7[%swap3A_919, %swap3A_920], %add3A_917 {strides = array<i32>} : memref<40x128xf32, #tpu.memory_space<vmem>>, vector<16xf32>,
        %add3A_922 = arith.constant 0 : i32
        %add3A_923 = arith.addi %add3A_185, %add3A_922 : i32
        %get3A_924 = arith.index_cast %add3A_923 : i32 to index
        %get3A_925 = arith.constant 96 : index
        %get3A_926 = tpu.vector_load %arg6[%get3A_924, %get3A_925] {strides = array<i32>} : memref<800x128xf32, #tpu.memory_space<vmem>>, vector<16xf32>,
        %add3A_927 = arith.constant 1 : i32
        %add3A_928 = arith.addi %add3A_185, %add3A_927 : i32
        %get3A_929 = arith.index_cast %add3A_928 : i32 to index
        %get3A_930 = arith.constant 96 : index
        %get3A_931 = tpu.vector_load %arg6[%get3A_929, %get3A_930] {strides = array<i32>} : memref<800x128xf32, #tpu.memory_space<vmem>>, vector<16xf32>,
        %add3A_932 = arith.constant 2 : i32
        %add3A_933 = arith.addi %add3A_185, %add3A_932 : i32
        %get3A_934 = arith.index_cast %add3A_933 : i32 to index
        %get3A_935 = arith.constant 96 : index
        %get3A_936 = tpu.vector_load %arg6[%get3A_934, %get3A_935] {strides = array<i32>} : memref<800x128xf32, #tpu.memory_space<vmem>>, vector<16xf32>,
        %add3A_937 = arith.constant 3 : i32
        %add3A_938 = arith.addi %add3A_185, %add3A_937 : i32
        %get3A_939 = arith.index_cast %add3A_938 : i32 to index
        %get3A_940 = arith.constant 96 : index
        %get3A_941 = tpu.vector_load %arg6[%get3A_939, %get3A_940] {strides = array<i32>} : memref<800x128xf32, #tpu.memory_space<vmem>>, vector<16xf32>,
        %add3A_942 = arith.constant 4 : i32
        %add3A_943 = arith.addi %add3A_185, %add3A_942 : i32
        %get3A_944 = arith.index_cast %add3A_943 : i32 to index
        %get3A_945 = arith.constant 96 : index
        %get3A_946 = tpu.vector_load %arg6[%get3A_944, %get3A_945] {strides = array<i32>} : memref<800x128xf32, #tpu.memory_space<vmem>>, vector<16xf32>,
        %add3A_947 = arith.constant 5 : i32
        %add3A_948 = arith.addi %add3A_185, %add3A_947 : i32
        %get3A_949 = arith.index_cast %add3A_948 : i32 to index
        %get3A_950 = arith.constant 96 : index
        %get3A_951 = tpu.vector_load %arg6[%get3A_949, %get3A_950] {strides = array<i32>} : memref<800x128xf32, #tpu.memory_space<vmem>>, vector<16xf32>,
        %add3A_952 = arith.constant 6 : i32
        %add3A_953 = arith.addi %add3A_185, %add3A_952 : i32
        %get3A_954 = arith.index_cast %add3A_953 : i32 to index
        %get3A_955 = arith.constant 96 : index
        %get3A_956 = tpu.vector_load %arg6[%get3A_954, %get3A_955] {strides = array<i32>} : memref<800x128xf32, #tpu.memory_space<vmem>>, vector<16xf32>,
        %add3A_957 = arith.constant 7 : i32
        %add3A_958 = arith.addi %add3A_185, %add3A_957 : i32
        %get3A_959 = arith.index_cast %add3A_958 : i32 to index
        %get3A_960 = arith.constant 96 : index
        %get3A_961 = tpu.vector_load %arg6[%get3A_959, %get3A_960] {strides = array<i32>} : memref<800x128xf32, #tpu.memory_space<vmem>>, vector<16xf32>,
        %add3A_962 = arith.constant 8 : i32
        %add3A_963 = arith.addi %add3A_185, %add3A_962 : i32
        %get3A_964 = arith.index_cast %add3A_963 : i32 to index
        %get3A_965 = arith.constant 96 : index
        %get3A_966 = tpu.vector_load %arg6[%get3A_964, %get3A_965] {strides = array<i32>} : memref<800x128xf32, #tpu.memory_space<vmem>>, vector<16xf32>,
        %add3A_967 = arith.constant 9 : i32
        %add3A_968 = arith.addi %add3A_185, %add3A_967 : i32
        %get3A_969 = arith.index_cast %add3A_968 : i32 to index
        %get3A_970 = arith.constant 96 : index
        %get3A_971 = tpu.vector_load %arg6[%get3A_969, %get3A_970] {strides = array<i32>} : memref<800x128xf32, #tpu.memory_space<vmem>>, vector<16xf32>,
        %add3A_972 = arith.constant 10 : i32
        %add3A_973 = arith.addi %add3A_185, %add3A_972 : i32
        %get3A_974 = arith.index_cast %add3A_973 : i32 to index
        %get3A_975 = arith.constant 96 : index
        %get3A_976 = tpu.vector_load %arg6[%get3A_974, %get3A_975] {strides = array<i32>} : memref<800x128xf32, #tpu.memory_space<vmem>>, vector<16xf32>,
        %add3A_977 = arith.constant 11 : i32
        %add3A_978 = arith.addi %add3A_185, %add3A_977 : i32
        %get3A_979 = arith.index_cast %add3A_978 : i32 to index
        %get3A_980 = arith.constant 96 : index
        %get3A_981 = tpu.vector_load %arg6[%get3A_979, %get3A_980] {strides = array<i32>} : memref<800x128xf32, #tpu.memory_space<vmem>>, vector<16xf32>,
        %add3A_982 = arith.constant 12 : i32
        %add3A_983 = arith.addi %add3A_185, %add3A_982 : i32
        %get3A_984 = arith.index_cast %add3A_983 : i32 to index
        %get3A_985 = arith.constant 96 : index
        %get3A_986 = tpu.vector_load %arg6[%get3A_984, %get3A_985] {strides = array<i32>} : memref<800x128xf32, #tpu.memory_space<vmem>>, vector<16xf32>,
        %add3A_987 = arith.constant 13 : i32
        %add3A_988 = arith.addi %add3A_185, %add3A_987 : i32
        %get3A_989 = arith.index_cast %add3A_988 : i32 to index
        %get3A_990 = arith.constant 96 : index
        %get3A_991 = tpu.vector_load %arg6[%get3A_989, %get3A_990] {strides = array<i32>} : memref<800x128xf32, #tpu.memory_space<vmem>>, vector<16xf32>,
        %add3A_992 = arith.constant 14 : i32
        %add3A_993 = arith.addi %add3A_185, %add3A_992 : i32
        %get3A_994 = arith.index_cast %add3A_993 : i32 to index
        %get3A_995 = arith.constant 96 : index
        %get3A_996 = tpu.vector_load %arg6[%get3A_994, %get3A_995] {strides = array<i32>} : memref<800x128xf32, #tpu.memory_space<vmem>>, vector<16xf32>,
        %add3A_997 = arith.constant 15 : i32
        %add3A_998 = arith.addi %add3A_185, %add3A_997 : i32
        %get3A_999 = arith.index_cast %add3A_998 : i32 to index
        %get3A_1000 = arith.constant 96 : index
        %get3A_1001 = tpu.vector_load %arg6[%get3A_999, %get3A_1000] {strides = array<i32>} : memref<800x128xf32, #tpu.memory_space<vmem>>, vector<16xf32>,
        %add3A_1002 = arith.constant 16 : i32
        %add3A_1003 = arith.addi %add3A_185, %add3A_1002 : i32
        %get3A_1004 = arith.index_cast %add3A_1003 : i32 to index
        %get3A_1005 = arith.constant 96 : index
        %get3A_1006 = tpu.vector_load %arg6[%get3A_1004, %get3A_1005] {strides = array<i32>} : memref<800x128xf32, #tpu.memory_space<vmem>>, vector<16xf32>,
        %add3A_1007 = arith.constant 17 : i32
        %add3A_1008 = arith.addi %add3A_185, %add3A_1007 : i32
        %get3A_1009 = arith.index_cast %add3A_1008 : i32 to index
        %get3A_1010 = arith.constant 96 : index
        %get3A_1011 = tpu.vector_load %arg6[%get3A_1009, %get3A_1010] {strides = array<i32>} : memref<800x128xf32, #tpu.memory_space<vmem>>, vector<16xf32>,
        %add3A_1012 = arith.constant 18 : i32
        %add3A_1013 = arith.addi %add3A_185, %add3A_1012 : i32
        %get3A_1014 = arith.index_cast %add3A_1013 : i32 to index
        %get3A_1015 = arith.constant 96 : index
        %get3A_1016 = tpu.vector_load %arg6[%get3A_1014, %get3A_1015] {strides = array<i32>} : memref<800x128xf32, #tpu.memory_space<vmem>>, vector<16xf32>,
        %add3A_1017 = arith.constant 19 : i32
        %add3A_1018 = arith.addi %add3A_185, %add3A_1017 : i32
        %get3A_1019 = arith.index_cast %add3A_1018 : i32 to index
        %get3A_1020 = arith.constant 96 : index
        %get3A_1021 = tpu.vector_load %arg6[%get3A_1019, %get3A_1020] {strides = array<i32>} : memref<800x128xf32, #tpu.memory_space<vmem>>, vector<16xf32>,
        %add3A_1022 = arith.addf %get3A_926, %get3A_931 : vector<16xf32>
        %add3A_1023 = arith.addf %get3A_936, %get3A_941 : vector<16xf32>
        %add3A_1024 = arith.addf %get3A_946, %get3A_951 : vector<16xf32>
        %add3A_1025 = arith.addf %get3A_956, %get3A_961 : vector<16xf32>
        %add3A_1026 = arith.addf %get3A_966, %get3A_971 : vector<16xf32>
        %add3A_1027 = arith.addf %get3A_976, %get3A_981 : vector<16xf32>
        %add3A_1028 = arith.addf %get3A_986, %get3A_991 : vector<16xf32>
        %add3A_1029 = arith.addf %get3A_996, %get3A_1001 : vector<16xf32>
        %add3A_1030 = arith.addf %get3A_1006, %get3A_1011 : vector<16xf32>
        %add3A_1031 = arith.addf %get3A_1016, %get3A_1021 : vector<16xf32>
        %add3A_1032 = arith.addf %add3A_1022, %add3A_1023 : vector<16xf32>
        %add3A_1033 = arith.addf %add3A_1024, %add3A_1025 : vector<16xf32>
        %add3A_1034 = arith.addf %add3A_1026, %add3A_1027 : vector<16xf32>
        %add3A_1035 = arith.addf %add3A_1028, %add3A_1029 : vector<16xf32>
        %add3A_1036 = arith.addf %add3A_1030, %add3A_1031 : vector<16xf32>
        %add3A_1037 = arith.addf %add3A_1032, %add3A_1033 : vector<16xf32>
        %add3A_1038 = arith.addf %add3A_1034, %add3A_1035 : vector<16xf32>
        %add3A_1039 = arith.addf %add3A_1037, %add3A_1038 : vector<16xf32>
        %add3A_1040 = arith.addf %add3A_1039, %add3A_1036 : vector<16xf32>
        %add3A_1041 = arith.addi %multiple_of3A_145, %scan3A_182 : i32
        %swap3A_1042 = arith.index_cast %add3A_1041 : i32 to index
        %swap3A_1043 = arith.constant 96 : index
        %swap3A_1044 = tpu.vector_load %arg7[%swap3A_1042, %swap3A_1043] {strides = array<i32>} : memref<40x128xf32, #tpu.memory_space<vmem>>, vector<16xf32>,
        tpu.vector_store %arg7[%swap3A_1042, %swap3A_1043], %add3A_1040 {strides = array<i32>} : memref<40x128xf32, #tpu.memory_space<vmem>>, vector<16xf32>,
        %add3A_1045 = arith.constant 0 : i32
        %add3A_1046 = arith.addi %add3A_185, %add3A_1045 : i32
        %get3A_1047 = arith.index_cast %add3A_1046 : i32 to index
        %get3A_1048 = arith.constant 112 : index
        %get3A_1049 = tpu.vector_load %arg6[%get3A_1047, %get3A_1048] {strides = array<i32>} : memref<800x128xf32, #tpu.memory_space<vmem>>, vector<16xf32>,
        %add3A_1050 = arith.constant 1 : i32
        %add3A_1051 = arith.addi %add3A_185, %add3A_1050 : i32
        %get3A_1052 = arith.index_cast %add3A_1051 : i32 to index
        %get3A_1053 = arith.constant 112 : index
        %get3A_1054 = tpu.vector_load %arg6[%get3A_1052, %get3A_1053] {strides = array<i32>} : memref<800x128xf32, #tpu.memory_space<vmem>>, vector<16xf32>,
        %add3A_1055 = arith.constant 2 : i32
        %add3A_1056 = arith.addi %add3A_185, %add3A_1055 : i32
        %get3A_1057 = arith.index_cast %add3A_1056 : i32 to index
        %get3A_1058 = arith.constant 112 : index
        %get3A_1059 = tpu.vector_load %arg6[%get3A_1057, %get3A_1058] {strides = array<i32>} : memref<800x128xf32, #tpu.memory_space<vmem>>, vector<16xf32>,
        %add3A_1060 = arith.constant 3 : i32
        %add3A_1061 = arith.addi %add3A_185, %add3A_1060 : i32
        %get3A_1062 = arith.index_cast %add3A_1061 : i32 to index
        %get3A_1063 = arith.constant 112 : index
        %get3A_1064 = tpu.vector_load %arg6[%get3A_1062, %get3A_1063] {strides = array<i32>} : memref<800x128xf32, #tpu.memory_space<vmem>>, vector<16xf32>,
        %add3A_1065 = arith.constant 4 : i32
        %add3A_1066 = arith.addi %add3A_185, %add3A_1065 : i32
        %get3A_1067 = arith.index_cast %add3A_1066 : i32 to index
        %get3A_1068 = arith.constant 112 : index
        %get3A_1069 = tpu.vector_load %arg6[%get3A_1067, %get3A_1068] {strides = array<i32>} : memref<800x128xf32, #tpu.memory_space<vmem>>, vector<16xf32>,
        %add3A_1070 = arith.constant 5 : i32
        %add3A_1071 = arith.addi %add3A_185, %add3A_1070 : i32
        %get3A_1072 = arith.index_cast %add3A_1071 : i32 to index
        %get3A_1073 = arith.constant 112 : index
        %get3A_1074 = tpu.vector_load %arg6[%get3A_1072, %get3A_1073] {strides = array<i32>} : memref<800x128xf32, #tpu.memory_space<vmem>>, vector<16xf32>,
        %add3A_1075 = arith.constant 6 : i32
        %add3A_1076 = arith.addi %add3A_185, %add3A_1075 : i32
        %get3A_1077 = arith.index_cast %add3A_1076 : i32 to index
        %get3A_1078 = arith.constant 112 : index
        %get3A_1079 = tpu.vector_load %arg6[%get3A_1077, %get3A_1078] {strides = array<i32>} : memref<800x128xf32, #tpu.memory_space<vmem>>, vector<16xf32>,
        %add3A_1080 = arith.constant 7 : i32
        %add3A_1081 = arith.addi %add3A_185, %add3A_1080 : i32
        %get3A_1082 = arith.index_cast %add3A_1081 : i32 to index
        %get3A_1083 = arith.constant 112 : index
        %get3A_1084 = tpu.vector_load %arg6[%get3A_1082, %get3A_1083] {strides = array<i32>} : memref<800x128xf32, #tpu.memory_space<vmem>>, vector<16xf32>,
        %add3A_1085 = arith.constant 8 : i32
        %add3A_1086 = arith.addi %add3A_185, %add3A_1085 : i32
        %get3A_1087 = arith.index_cast %add3A_1086 : i32 to index
        %get3A_1088 = arith.constant 112 : index
        %get3A_1089 = tpu.vector_load %arg6[%get3A_1087, %get3A_1088] {strides = array<i32>} : memref<800x128xf32, #tpu.memory_space<vmem>>, vector<16xf32>,
        %add3A_1090 = arith.constant 9 : i32
        %add3A_1091 = arith.addi %add3A_185, %add3A_1090 : i32
        %get3A_1092 = arith.index_cast %add3A_1091 : i32 to index
        %get3A_1093 = arith.constant 112 : index
        %get3A_1094 = tpu.vector_load %arg6[%get3A_1092, %get3A_1093] {strides = array<i32>} : memref<800x128xf32, #tpu.memory_space<vmem>>, vector<16xf32>,
        %add3A_1095 = arith.constant 10 : i32
        %add3A_1096 = arith.addi %add3A_185, %add3A_1095 : i32
        %get3A_1097 = arith.index_cast %add3A_1096 : i32 to index
        %get3A_1098 = arith.constant 112 : index
        %get3A_1099 = tpu.vector_load %arg6[%get3A_1097, %get3A_1098] {strides = array<i32>} : memref<800x128xf32, #tpu.memory_space<vmem>>, vector<16xf32>,
        %add3A_1100 = arith.constant 11 : i32
        %add3A_1101 = arith.addi %add3A_185, %add3A_1100 : i32
        %get3A_1102 = arith.index_cast %add3A_1101 : i32 to index
        %get3A_1103 = arith.constant 112 : index
        %get3A_1104 = tpu.vector_load %arg6[%get3A_1102, %get3A_1103] {strides = array<i32>} : memref<800x128xf32, #tpu.memory_space<vmem>>, vector<16xf32>,
        %add3A_1105 = arith.constant 12 : i32
        %add3A_1106 = arith.addi %add3A_185, %add3A_1105 : i32
        %get3A_1107 = arith.index_cast %add3A_1106 : i32 to index
        %get3A_1108 = arith.constant 112 : index
        %get3A_1109 = tpu.vector_load %arg6[%get3A_1107, %get3A_1108] {strides = array<i32>} : memref<800x128xf32, #tpu.memory_space<vmem>>, vector<16xf32>,
        %add3A_1110 = arith.constant 13 : i32
        %add3A_1111 = arith.addi %add3A_185, %add3A_1110 : i32
        %get3A_1112 = arith.index_cast %add3A_1111 : i32 to index
        %get3A_1113 = arith.constant 112 : index
        %get3A_1114 = tpu.vector_load %arg6[%get3A_1112, %get3A_1113] {strides = array<i32>} : memref<800x128xf32, #tpu.memory_space<vmem>>, vector<16xf32>,
        %add3A_1115 = arith.constant 14 : i32
        %add3A_1116 = arith.addi %add3A_185, %add3A_1115 : i32
        %get3A_1117 = arith.index_cast %add3A_1116 : i32 to index
        %get3A_1118 = arith.constant 112 : index
        %get3A_1119 = tpu.vector_load %arg6[%get3A_1117, %get3A_1118] {strides = array<i32>} : memref<800x128xf32, #tpu.memory_space<vmem>>, vector<16xf32>,
        %add3A_1120 = arith.constant 15 : i32
        %add3A_1121 = arith.addi %add3A_185, %add3A_1120 : i32
        %get3A_1122 = arith.index_cast %add3A_1121 : i32 to index
        %get3A_1123 = arith.constant 112 : index
        %get3A_1124 = tpu.vector_load %arg6[%get3A_1122, %get3A_1123] {strides = array<i32>} : memref<800x128xf32, #tpu.memory_space<vmem>>, vector<16xf32>,
        %add3A_1125 = arith.constant 16 : i32
        %add3A_1126 = arith.addi %add3A_185, %add3A_1125 : i32
        %get3A_1127 = arith.index_cast %add3A_1126 : i32 to index
        %get3A_1128 = arith.constant 112 : index
        %get3A_1129 = tpu.vector_load %arg6[%get3A_1127, %get3A_1128] {strides = array<i32>} : memref<800x128xf32, #tpu.memory_space<vmem>>, vector<16xf32>,
        %add3A_1130 = arith.constant 17 : i32
        %add3A_1131 = arith.addi %add3A_185, %add3A_1130 : i32
        %get3A_1132 = arith.index_cast %add3A_1131 : i32 to index
        %get3A_1133 = arith.constant 112 : index
        %get3A_1134 = tpu.vector_load %arg6[%get3A_1132, %get3A_1133] {strides = array<i32>} : memref<800x128xf32, #tpu.memory_space<vmem>>, vector<16xf32>,
        %add3A_1135 = arith.constant 18 : i32
        %add3A_1136 = arith.addi %add3A_185, %add3A_1135 : i32
        %get3A_1137 = arith.index_cast %add3A_1136 : i32 to index
        %get3A_1138 = arith.constant 112 : index
        %get3A_1139 = tpu.vector_load %arg6[%get3A_1137, %get3A_1138] {strides = array<i32>} : memref<800x128xf32, #tpu.memory_space<vmem>>, vector<16xf32>,
        %add3A_1140 = arith.constant 19 : i32
        %add3A_1141 = arith.addi %add3A_185, %add3A_1140 : i32
        %get3A_1142 = arith.index_cast %add3A_1141 : i32 to index
        %get3A_1143 = arith.constant 112 : index
        %get3A_1144 = tpu.vector_load %arg6[%get3A_1142, %get3A_1143] {strides = array<i32>} : memref<800x128xf32, #tpu.memory_space<vmem>>, vector<16xf32>,
        %add3A_1145 = arith.addf %get3A_1049, %get3A_1054 : vector<16xf32>
        %add3A_1146 = arith.addf %get3A_1059, %get3A_1064 : vector<16xf32>
        %add3A_1147 = arith.addf %get3A_1069, %get3A_1074 : vector<16xf32>
        %add3A_1148 = arith.addf %get3A_1079, %get3A_1084 : vector<16xf32>
        %add3A_1149 = arith.addf %get3A_1089, %get3A_1094 : vector<16xf32>
        %add3A_1150 = arith.addf %get3A_1099, %get3A_1104 : vector<16xf32>
        %add3A_1151 = arith.addf %get3A_1109, %get3A_1114 : vector<16xf32>
        %add3A_1152 = arith.addf %get3A_1119, %get3A_1124 : vector<16xf32>
        %add3A_1153 = arith.addf %get3A_1129, %get3A_1134 : vector<16xf32>
        %add3A_1154 = arith.addf %get3A_1139, %get3A_1144 : vector<16xf32>
        %add3A_1155 = arith.addf %add3A_1145, %add3A_1146 : vector<16xf32>
        %add3A_1156 = arith.addf %add3A_1147, %add3A_1148 : vector<16xf32>
        %add3A_1157 = arith.addf %add3A_1149, %add3A_1150 : vector<16xf32>
        %add3A_1158 = arith.addf %add3A_1151, %add3A_1152 : vector<16xf32>
        %add3A_1159 = arith.addf %add3A_1153, %add3A_1154 : vector<16xf32>
        %add3A_1160 = arith.addf %add3A_1155, %add3A_1156 : vector<16xf32>
        %add3A_1161 = arith.addf %add3A_1157, %add3A_1158 : vector<16xf32>
        %add3A_1162 = arith.addf %add3A_1160, %add3A_1161 : vector<16xf32>
        %add3A_1163 = arith.addf %add3A_1162, %add3A_1159 : vector<16xf32>
        %add3A_1164 = arith.addi %multiple_of3A_145, %scan3A_182 : i32
        %swap3A_1165 = arith.index_cast %add3A_1164 : i32 to index
        %swap3A_1166 = arith.constant 112 : index
        %swap3A_1167 = tpu.vector_load %arg7[%swap3A_1165, %swap3A_1166] {strides = array<i32>} : memref<40x128xf32, #tpu.memory_space<vmem>>, vector<16xf32>,
        tpu.vector_store %arg7[%swap3A_1165, %swap3A_1166], %add3A_1163 {strides = array<i32>} : memref<40x128xf32, #tpu.memory_space<vmem>>, vector<16xf32>,
      }
      %scan3A_163 = arith.constant 8 : i32
      %mul3A_164 = arith.constant 512 : i32
      %mul3A_165 = arith.muli %add3A, %mul3A_164 : i32
      %mul3A_166 = arith.constant 8 : i32
      %mul3A_167 = arith.muli %scan3A_135, %mul3A_166 : i32
      %add3A_168 = arith.addi %mul3A_165, %mul3A_167 : i32
      %multiple_of3A_169 = tpu.assume_multiple %add3A_168, 8 : i32
      %dma_start3A_170 = arith.constant 0 : i32
      %dma_start3A_171 = tpu.memref_slice %arg7[%multiple_of3A_145, %dma_start3A_170] : memref<40x128xf32, #tpu.memory_space<vmem>> -> memref<8x128xf32, #tpu.memory_space<vmem>>
      %dma_start3A_172 = arith.constant 0 : i32
      %dma_start3A_173 = tpu.memref_slice %arg4[%multiple_of3A_169, %dma_start3A_172] : memref<16384x128xf32, #tpu.memory_space<hbm>> -> memref<8x128xf32, #tpu.memory_space<hbm>>
      %dma_start3A_174 = arith.constant 0 : i32
      %dma_start3A_175 = tpu.memref_slice %arg4[%multiple_of3A_169, %dma_start3A_174] : memref<16384x128xf32, #tpu.memory_space<hbm>> -> memref<8x128xf32, #tpu.memory_space<hbm>>
      %dma_start3A_176 = arith.constant 0 : i32
      %dma_start3A_177 = tpu.memref_slice %arg7[%multiple_of3A_145, %dma_start3A_176] : memref<40x128xf32, #tpu.memory_space<vmem>> -> memref<8x128xf32, #tpu.memory_space<vmem>>
      tpu.enqueue_dma source(%dma_start3A_177 : memref<8x128xf32, #tpu.memory_space<vmem>>) target(%dma_start3A_175 : memref<8x128xf32, #tpu.memory_space<hbm>>) target_semaphore(%arg9 : memref<!tpu.dma_semaphore, #tpu.memory_space<semaphore_mem>>)
      %lt3A = arith.constant 59 : i32
      %lt3A_178 = arith.cmpi slt, %scan3A_135, %lt3A : i32
      %convert_element_type3A_179 = arith.extui %lt3A_178 : i1 to i32
      %cond3A_180 = arith.constant 0 : i32
      %cond3A_181 = arith.cmpi ne, %convert_element_type3A_179, %cond3A_180 : i32
      scf.if %cond3A_181 {
        %add3A_182 = arith.constant 5 : i32
        %add3A_183 = arith.addi %scan3A_135, %add3A_182 : i32
        %mul3A_184 = arith.constant 160 : i32
        %mul3A_185 = arith.muli %add3A_183, %mul3A_184 : i32
        %multiple_of3A_186 = tpu.assume_multiple %mul3A_185, 8 : i32
        %rem3A_187 = arith.constant 5 : i32
        %rem3A_188 = arith.remsi %add3A_183, %rem3A_187 : i32
        %mul3A_189 = arith.constant 160 : i32
        %mul3A_190 = arith.muli %rem3A_188, %mul3A_189 : i32
        %multiple_of3A_191 = tpu.assume_multiple %mul3A_190, 8 : i32
        %dma_start3A_192 = arith.constant 0 : i32
        %dma_start3A_193 = tpu.memref_slice %arg6[%multiple_of3A_191, %dma_start3A_192] : memref<800x128xf32, #tpu.memory_space<vmem>> -> memref<160x128xf32, #tpu.memory_space<vmem>>
        %dma_start3A_194 = tpu.memref_slice %arg5[%multiple_of3A_186] : memref<10240xi32, #tpu.memory_space<vmem>> -> memref<160xi32, #tpu.memory_space<vmem>>
        %dma_start3A_195 = arith.constant 0 : i32
        %dma_start3A_196 = arith.constant 0 : i32
        %dma_start3A_197 = tpu.memref_slice %arg3[%dma_start3A_195, %dma_start3A_196] : memref<100000x128xf32, #tpu.memory_space<hbm>> -> memref<100000x128xf32, #tpu.memory_space<hbm>>
        tpu.enqueue_indirect_dma source(%dma_start3A_197 : memref<100000x128xf32, #tpu.memory_space<hbm>>) target(%dma_start3A_193 : memref<160x128xf32, #tpu.memory_space<vmem>>) offsets(%dma_start3A_194 : memref<160xi32, #tpu.memory_space<vmem>>) semaphore(%arg8 : memref<!tpu.dma_semaphore, #tpu.memory_space<semaphore_mem>>)
      } else {
      }
    }
    %scan3A_75 = arith.constant 64 : i32
    %dma_wait3A = arith.constant 0 : i32
    %dma_wait3A_76 = arith.constant 0 : i32
    %dma_wait3A_77 = tpu.memref_slice %arg7[%dma_wait3A, %dma_wait3A_76] : memref<40x128xf32, #tpu.memory_space<vmem>> -> memref<8x128xf32, #tpu.memory_space<vmem>>
    %dma_wait3A_78 = arith.constant 0 : i32
    %dma_wait3A_79 = arith.constant 0 : i32
    %dma_wait3A_80 = tpu.memref_slice %arg4[%dma_wait3A_78, %dma_wait3A_79] : memref<16384x128xf32, #tpu.memory_space<hbm>> -> memref<8x128xf32, #tpu.memory_space<hbm>>
    %dma_wait3A_81 = arith.constant 0 : i32
    %dma_wait3A_82 = arith.constant 0 : i32
    %dma_wait3A_83 = tpu.memref_slice %arg4[%dma_wait3A_81, %dma_wait3A_82] : memref<16384x128xf32, #tpu.memory_space<hbm>> -> memref<8x128xf32, #tpu.memory_space<hbm>>
    %dma_wait3A_84 = arith.constant 0 : i32
    %dma_wait3A_85 = arith.constant 0 : i32
    %dma_wait3A_86 = tpu.memref_slice %arg7[%dma_wait3A_84, %dma_wait3A_85] : memref<40x128xf32, #tpu.memory_space<vmem>> -> memref<8x128xf32, #tpu.memory_space<vmem>>
    tpu.wait_dma2 semaphore(%arg9 : memref<!tpu.dma_semaphore, #tpu.memory_space<semaphore_mem>>) src(%dma_wait3A_86 : memref<8x128xf32, #tpu.memory_space<vmem>>) dst(%dma_wait3A_83 : memref<8x128xf32, #tpu.memory_space<hbm>>)
    %dma_wait3A_87 = arith.constant 8 : i32
    %dma_wait3A_88 = arith.constant 0 : i32
    %dma_wait3A_89 = tpu.memref_slice %arg7[%dma_wait3A_87, %dma_wait3A_88] : memref<40x128xf32, #tpu.memory_space<vmem>> -> memref<8x128xf32, #tpu.memory_space<vmem>>
    %dma_wait3A_90 = arith.constant 0 : i32
    %dma_wait3A_91 = arith.constant 0 : i32
    %dma_wait3A_92 = tpu.memref_slice %arg4[%dma_wait3A_90, %dma_wait3A_91] : memref<16384x128xf32, #tpu.memory_space<hbm>> -> memref<8x128xf32, #tpu.memory_space<hbm>>
    %dma_wait3A_93 = arith.constant 0 : i32
    %dma_wait3A_94 = arith.constant 0 : i32
    %dma_wait3A_95 = tpu.memref_slice %arg4[%dma_wait3A_93, %dma_wait3A_94] : memref<16384x128xf32, #tpu.memory_space<hbm>> -> memref<8x128xf32, #tpu.memory_space<hbm>>
    %dma_wait3A_96 = arith.constant 8 : i32
    %dma_wait3A_97 = arith.constant 0 : i32
    %dma_wait3A_98 = tpu.memref_slice %arg7[%dma_wait3A_96, %dma_wait3A_97] : memref<40x128xf32, #tpu.memory_space<vmem>> -> memref<8x128xf32, #tpu.memory_space<vmem>>
    tpu.wait_dma2 semaphore(%arg9 : memref<!tpu.dma_semaphore, #tpu.memory_space<semaphore_mem>>) src(%dma_wait3A_98 : memref<8x128xf32, #tpu.memory_space<vmem>>) dst(%dma_wait3A_95 : memref<8x128xf32, #tpu.memory_space<hbm>>)
    %dma_wait3A_99 = arith.constant 16 : i32
    %dma_wait3A_100 = arith.constant 0 : i32
    %dma_wait3A_101 = tpu.memref_slice %arg7[%dma_wait3A_99, %dma_wait3A_100] : memref<40x128xf32, #tpu.memory_space<vmem>> -> memref<8x128xf32, #tpu.memory_space<vmem>>
    %dma_wait3A_102 = arith.constant 0 : i32
    %dma_wait3A_103 = arith.constant 0 : i32
    %dma_wait3A_104 = tpu.memref_slice %arg4[%dma_wait3A_102, %dma_wait3A_103] : memref<16384x128xf32, #tpu.memory_space<hbm>> -> memref<8x128xf32, #tpu.memory_space<hbm>>
    %dma_wait3A_105 = arith.constant 0 : i32
    %dma_wait3A_106 = arith.constant 0 : i32
    %dma_wait3A_107 = tpu.memref_slice %arg4[%dma_wait3A_105, %dma_wait3A_106] : memref<16384x128xf32, #tpu.memory_space<hbm>> -> memref<8x128xf32, #tpu.memory_space<hbm>>
    %dma_wait3A_108 = arith.constant 16 : i32
    %dma_wait3A_109 = arith.constant 0 : i32
    %dma_wait3A_110 = tpu.memref_slice %arg7[%dma_wait3A_108, %dma_wait3A_109] : memref<40x128xf32, #tpu.memory_space<vmem>> -> memref<8x128xf32, #tpu.memory_space<vmem>>
    tpu.wait_dma2 semaphore(%arg9 : memref<!tpu.dma_semaphore, #tpu.memory_space<semaphore_mem>>) src(%dma_wait3A_110 : memref<8x128xf32, #tpu.memory_space<vmem>>) dst(%dma_wait3A_107 : memref<8x128xf32, #tpu.memory_space<hbm>>)
    %dma_wait3A_111 = arith.constant 24 : i32
    %dma_wait3A_112 = arith.constant 0 : i32
    %dma_wait3A_113 = tpu.memref_slice %arg7[%dma_wait3A_111, %dma_wait3A_112] : memref<40x128xf32, #tpu.memory_space<vmem>> -> memref<8x128xf32, #tpu.memory_space<vmem>>
    %dma_wait3A_114 = arith.constant 0 : i32
    %dma_wait3A_115 = arith.constant 0 : i32
    %dma_wait3A_116 = tpu.memref_slice %arg4[%dma_wait3A_114, %dma_wait3A_115] : memref<16384x128xf32, #tpu.memory_space<hbm>> -> memref<8x128xf32, #tpu.memory_space<hbm>>
    %dma_wait3A_117 = arith.constant 0 : i32
    %dma_wait3A_118 = arith.constant 0 : i32
    %dma_wait3A_119 = tpu.memref_slice %arg4[%dma_wait3A_117, %dma_wait3A_118] : memref<16384x128xf32, #tpu.memory_space<hbm>> -> memref<8x128xf32, #tpu.memory_space<hbm>>
    %dma_wait3A_120 = arith.constant 24 : i32
    %dma_wait3A_121 = arith.constant 0 : i32
    %dma_wait3A_122 = tpu.memref_slice %arg7[%dma_wait3A_120, %dma_wait3A_121] : memref<40x128xf32, #tpu.memory_space<vmem>> -> memref<8x128xf32, #tpu.memory_space<vmem>>
    tpu.wait_dma2 semaphore(%arg9 : memref<!tpu.dma_semaphore, #tpu.memory_space<semaphore_mem>>) src(%dma_wait3A_122 : memref<8x128xf32, #tpu.memory_space<vmem>>) dst(%dma_wait3A_119 : memref<8x128xf32, #tpu.memory_space<hbm>>)
    %dma_wait3A_123 = arith.constant 32 : i32
    %dma_wait3A_124 = arith.constant 0 : i32
    %dma_wait3A_125 = tpu.memref_slice %arg7[%dma_wait3A_123, %dma_wait3A_124] : memref<40x128xf32, #tpu.memory_space<vmem>> -> memref<8x128xf32, #tpu.memory_space<vmem>>
    %dma_wait3A_126 = arith.constant 0 : i32
    %dma_wait3A_127 = arith.constant 0 : i32
    %dma_wait3A_128 = tpu.memref_slice %arg4[%dma_wait3A_126, %dma_wait3A_127] : memref<16384x128xf32, #tpu.memory_space<hbm>> -> memref<8x128xf32, #tpu.memory_space<hbm>>
    %dma_wait3A_129 = arith.constant 0 : i32
    %dma_wait3A_130 = arith.constant 0 : i32
    %dma_wait3A_131 = tpu.memref_slice %arg4[%dma_wait3A_129, %dma_wait3A_130] : memref<16384x128xf32, #tpu.memory_space<hbm>> -> memref<8x128xf32, #tpu.memory_space<hbm>>
    %dma_wait3A_132 = arith.constant 32 : i32
    %dma_wait3A_133 = arith.constant 0 : i32
    %dma_wait3A_134 = tpu.memref_slice %arg7[%dma_wait3A_132, %dma_wait3A_133] : memref<40x128xf32, #tpu.memory_space<vmem>> -> memref<8x128xf32, #tpu.memory_space<vmem>>
    tpu.wait_dma2 semaphore(%arg9 : memref<!tpu.dma_semaphore, #tpu.memory_space<semaphore_mem>>) src(%dma_wait3A_134 : memref<8x128xf32, #tpu.memory_space<vmem>>) dst(%dma_wait3A_131 : memref<8x128xf32, #tpu.memory_space<hbm>>)
    return
  }
}

module attributes {stable_mosaic.version = 14 : i64} {
  func.func @body(%arg0: i32, %arg1: memref<4096x128xf32, #tpu.memory_space<vmem>>, %arg2: memref<128x1024xbf16, #tpu.memory_space<vmem>>, %arg3: memref<1x1024xf32, #tpu.memory_space<vmem>>, %arg4: memref<1024x256xbf16, #tpu.memory_space<vmem>>, %arg5: memref<1x256xf32, #tpu.memory_space<vmem>>, %arg6: memref<4096x256xf32, #tpu.memory_space<vmem>>) attributes {dimension_semantics = [#tpu.dimension_semantics<arbitrary>], iteration_bounds = array<i64: 4>, scalar_prefetch = 0 : i64, scratch_operands = 0 : i64, tpu.core_type = #tpu.core_type<tc>, window_params = [{transform_indices = @transform_0, window_bounds = array<i64: 4096, 128>}, {pipeline_mode = #tpu.pipeline_mode<synchronous>, transform_indices = @transform_1, window_bounds = array<i64: 128, 1024>}, {pipeline_mode = #tpu.pipeline_mode<synchronous>, transform_indices = @transform_2, window_bounds = array<i64: 1, 1024>}, {pipeline_mode = #tpu.pipeline_mode<synchronous>, transform_indices = @transform_3, window_bounds = array<i64: 1024, 256>}, {pipeline_mode = #tpu.pipeline_mode<synchronous>, transform_indices = @transform_4, window_bounds = array<i64: 1, 256>}, {transform_indices = @transform_5, window_bounds = array<i64: 4096, 256>}]} {
    %get3A = arith.constant 0 : index
    %get3A_0 = arith.constant 0 : index
    %get3A_1 = vector.load %arg1[%get3A, %get3A_0] : memref<4096x128xf32, #tpu.memory_space<vmem>>, vector<4096x128xf32>
    %mul3A = arith.constant 5.000000e-01 : f32
    %mul3A_2 = vector.broadcast %mul3A : f32 to vector<4096x128xf32>
    %mul3A_3 = arith.mulf %mul3A_2, %get3A_1 : vector<4096x128xf32>
    %tanh3A = math.tanh %mul3A_3 : vector<4096x128xf32>
    %mul3A_4 = arith.constant 5.000000e-01 : f32
    %mul3A_5 = vector.broadcast %mul3A_4 : f32 to vector<4096x128xf32>
    %mul3A_6 = arith.mulf %mul3A_5, %tanh3A : vector<4096x128xf32>
    %add3A = arith.constant 5.000000e-01 : f32
    %add3A_7 = vector.broadcast %add3A : f32 to vector<4096x128xf32>
    %add3A_8 = arith.addf %add3A_7, %mul3A_6 : vector<4096x128xf32>
    %convert_element_type3A = arith.truncf %add3A_8 : vector<4096x128xf32> to vector<4096x128xbf16>
    %get3A_9 = arith.constant 0 : index
    %get3A_10 = arith.constant 0 : index
    %get3A_11 = vector.load %arg2[%get3A_9, %get3A_10] : memref<128x1024xbf16, #tpu.memory_space<vmem>>, vector<128x1024xbf16>
    %dot_general3A = arith.constant dense<0.000000e+00> : vector<4096x1024xf32>
    %dot_general3A_12 = tpu.matmul %convert_element_type3A, %get3A_11, %dot_general3A {dimension_numbers = #tpu.dot_dimension_numbers<[1], [0], [0], [1], [0, 0, 1, 1], [], []>, transpose_lhs_hint = false} : vector<4096x128xbf16>, vector<128x1024xbf16>, vector<4096x1024xf32> -> vector<4096x1024xf32>
    %get3A_13 = arith.constant 0 : index
    %get3A_14 = arith.constant 0 : index
    %get3A_15 = vector.load %arg3[%get3A_13, %get3A_14] : memref<1x1024xf32, #tpu.memory_space<vmem>>, vector<1x1024xf32>
    %add3A_16 = vector.broadcast %get3A_15 : vector<1x1024xf32> to vector<4096x1024xf32>
    %add3A_17 = arith.addf %dot_general3A_12, %add3A_16 : vector<4096x1024xf32>
    %mul3A_18 = arith.constant 5.000000e-01 : f32
    %mul3A_19 = vector.broadcast %mul3A_18 : f32 to vector<4096x1024xf32>
    %mul3A_20 = arith.mulf %mul3A_19, %add3A_17 : vector<4096x1024xf32>
    %tanh3A_21 = math.tanh %mul3A_20 : vector<4096x1024xf32>
    %mul3A_22 = arith.constant 5.000000e-01 : f32
    %mul3A_23 = vector.broadcast %mul3A_22 : f32 to vector<4096x1024xf32>
    %mul3A_24 = arith.mulf %mul3A_23, %tanh3A_21 : vector<4096x1024xf32>
    %add3A_25 = arith.constant 5.000000e-01 : f32
    %add3A_26 = vector.broadcast %add3A_25 : f32 to vector<4096x1024xf32>
    %add3A_27 = arith.addf %add3A_26, %mul3A_24 : vector<4096x1024xf32>
    %convert_element_type3A_28 = arith.truncf %add3A_27 : vector<4096x1024xf32> to vector<4096x1024xbf16>
    %get3A_29 = arith.constant 0 : index
    %get3A_30 = arith.constant 0 : index
    %get3A_31 = vector.load %arg4[%get3A_29, %get3A_30] : memref<1024x256xbf16, #tpu.memory_space<vmem>>, vector<1024x256xbf16>
    %dot_general3A_32 = arith.constant dense<0.000000e+00> : vector<4096x256xf32>
    %dot_general3A_33 = tpu.matmul %convert_element_type3A_28, %get3A_31, %dot_general3A_32 {dimension_numbers = #tpu.dot_dimension_numbers<[1], [0], [0], [1], [0, 0, 1, 1], [], []>, transpose_lhs_hint = false} : vector<4096x1024xbf16>, vector<1024x256xbf16>, vector<4096x256xf32> -> vector<4096x256xf32>
    %get3A_34 = arith.constant 0 : index
    %get3A_35 = arith.constant 0 : index
    %get3A_36 = vector.load %arg5[%get3A_34, %get3A_35] : memref<1x256xf32, #tpu.memory_space<vmem>>, vector<1x256xf32>
    %add3A_37 = vector.broadcast %get3A_36 : vector<1x256xf32> to vector<4096x256xf32>
    %add3A_38 = arith.addf %dot_general3A_33, %add3A_37 : vector<4096x256xf32>
    %swap3A = arith.constant 0 : index
    %swap3A_39 = arith.constant 0 : index
    %swap3A_40 = vector.load %arg6[%swap3A, %swap3A_39] : memref<4096x256xf32, #tpu.memory_space<vmem>>, vector<4096x256xf32>
    tpu.vector_store %arg6[%swap3A, %swap3A_39], %add3A_38 {strides = array<i32>} : memref<4096x256xf32, #tpu.memory_space<vmem>>, vector<4096x256xf32>,
    return
  }
  func.func @transform_0(%arg0: i32) -> (i32, i32) {
    %c0_i32 = arith.constant 0 : i32
    %c0_i32_0 = arith.constant 0 : i32
    return %arg0, %c0_i32 : i32, i32
  }
  func.func @transform_1(%arg0: i32) -> (i32, i32) {
    %c0_i32 = arith.constant 0 : i32
    %c0_i32_0 = arith.constant 0 : i32
    %c0_i32_1 = arith.constant 0 : i32
    return %c0_i32, %c0_i32_0 : i32, i32
  }
  func.func @transform_2(%arg0: i32) -> (i32, i32) {
    %c0_i32 = arith.constant 0 : i32
    %c0_i32_0 = arith.constant 0 : i32
    %c0_i32_1 = arith.constant 0 : i32
    return %c0_i32, %c0_i32_0 : i32, i32
  }
  func.func @transform_3(%arg0: i32) -> (i32, i32) {
    %c0_i32 = arith.constant 0 : i32
    %c0_i32_0 = arith.constant 0 : i32
    %c0_i32_1 = arith.constant 0 : i32
    return %c0_i32, %c0_i32_0 : i32, i32
  }
  func.func @transform_4(%arg0: i32) -> (i32, i32) {
    %c0_i32 = arith.constant 0 : i32
    %c0_i32_0 = arith.constant 0 : i32
    %c0_i32_1 = arith.constant 0 : i32
    return %c0_i32, %c0_i32_0 : i32, i32
  }
  func.func @transform_5(%arg0: i32) -> (i32, i32) {
    %c0_i32 = arith.constant 0 : i32
    %c0_i32_0 = arith.constant 0 : i32
    return %arg0, %c0_i32 : i32, i32
  }
}

</mosaic_0001>

<sc_bundles>
// kernel: kernel.4.cloned.1.call-start
scs
__scs_entry_jumppad:
0x0: {  	(pc) =	sbr.rel $0x88, $3  }
0x1: {  	(tag) =	ssettag $0x0;
	lr =	simm.s32 $0x1  }
0x2: {  	[smem:$0x3F9B] =	sst lr;
	_ =	strace $0xD0000000  }
0x3: {  	_ = 	snop  }
0x4: {  	_ = 	snop  }
0x5: {  	_ = 	snop  }
0x6: {  	_ = 	snop  }
0x7: {  	_ = 	snop  }
__scs_overlays_trampoline_lowered:
0x8: {  	[smem:$0x3FAA] =	sst s0  }
0x9: {  	[smem:$0x3FAB] =	sst s1  }
0xa: {  	[smem:$0x3FAC] =	sst s2  }
0xb: {  	[smem:$0x3FAD] =	sst s3  }
0xc: {  	[smem:$0x3FAE] =	sst s4  }
0xd: {  	[smem:$0x3FAF] =	sst s5  }
0xe: {  	[smem:$0x3FB0] =	sst s6  }
0xf: {  	[smem:$0x3FB1] =	sst s7  }
0x10: {  	[smem:$0x3FB2] =	sst s8  }
0x11: {  	[smem:$0x3FB3] =	sst s9;
	s0 =	simm.s32 @!p0 $0x0  }
0x12: {  	s1 =	sld [smem:$0x3F99];
	s0 =	simm.s32 @p0 $0x1  }
0x13: {  	[smem:$0x3FB4] =	sst s0;
	s0 =	simm.s32 @!p1 $0x0  }
0x14: {  	s2 =	sld [smem:$0x3F98];
	s0 =	simm.s32 @p1 $0x1  }
0x15: {  	[smem:$0x3FB5] =	sst s0;
	s0 =	simm.s32 @!p2 $0x0  }
0x16: {  	s3 =	sld [smem:$0x3FDB];
	s0 =	simm.s32 @p2 $0x1  }
0x17: {  	s4 =	simm.s32 $0x1BF5;
	[smem:$0x3FB7] =	sst s0  }
0x18: {  	s0 =	sld [smem:$0x3F9A];
	_ =	swait.ge [sflag:s4], $0x0  }
0x19: {  	s7 =	sld [smem:$0x3F9B]  }
0x1a: {  	s8 =	sadd.s32 $0xFFFFE003, lr  }
0x1b: {  	s9 =	sadd.s32 $0xFFFFFEF7, lr;
	s5 =	simm.s32 $0xFFFFFFFF;
	p2 =	slt.u32 s8, $0xFFFFF086  }
0x1c: {  	p1 =	slt.u32 s9, $0xF7A;
	s5 =	simm.s32 @!p2 $0x0  }
0x1d: {  	s5 =	simm.s32 @p1 $0x1;
	p0 =	seq.s32 s7, s2  }
0x1e: {  	s7 =	smul.u32 @!p0 $0xF7A, s2;
	p2 =	seq.s32 @!p0 s5, $0x0  }
0x1f: {  	s9 =	smul.u32 $0xF7A, s1;
	s8 =	simm.s32 @!p0 $0x1BF5;
	p2 =	por !p2, p0  }
0x20: {  	[sflag:s8] =	ssyncset.s32 @!p0 $0xFFFFF086;
	s6 =	sadd.s32 @!p0 s3, s7;
	s7 =	simm.s32 @!p0 $0x108  }
0x21: {  	s3 =	sadd.s32 s3, s9;
	s6 =	sadd.s32 @!p0 $0x88, s6;
	s7 =	simm.s32 @p2 $0x1082  }
0x22: {  	[simem:s7], [sflag:s8] =	dma.local @!p0 [hbm:s6], $0xF7A  }
0x23: {  	s9 =	sor.u32 $0xD0000000, s2;
	s6 =	simm.s32 $0x108;
	_ =	swait.ge @!p0 [sflag:s8], $0x0  }
0x24: {  	s3 =	sadd.s32 $0x88, s3;
	s6 =	simm.s32 @!p1 $0x1082;
	[sflag:s4] =	ssyncset.s32 $0xFFFFF086  }
0x25: {  	[simem:s6], [sflag:s4] =	dma.local [hbm:s3], $0xF7A  }
0x26: {  	[smem:$0x3F9B] =	sst s1;
	(tag) =	ssettag s2;
	_ =	strace s9  }
0x27: {  	s1 =	sld [smem:$0x3FAB]  }
0x28: {  	s2 =	sld [smem:$0x3FAC]  }
0x29: {  	s4 =	sld [smem:$0x3FAE]  }
0x2a: {  	p0 =	seq.s32 s5, $0x0;
	s5 =	sld [smem:$0x3FAF]  }
0x2b: {  	s6 =	sld [smem:$0x3FB0]  }
0x2c: {  	s7 =	sld [smem:$0x3FB1]  }
0x2d: {  	s3 =	simm.s32 $0x108;
	s8 =	sld [smem:$0x3FB2]  }
0x2e: {  	s3 =	simm.s32 @!p0 $0x1082;
	s9 =	sld [smem:$0x3FB3]  }
0x2f: {  	lr =	sadd.s32 s0, s3;
	s0 =	sld [smem:$0x3FAA]  }
0x30: {  	s3 =	sld [smem:$0x3FAD]  }
0x31: {  	[smem:$0x3FB6] =	sst s10  }
0x32: {  	s10 =	sld [smem:$0x3FB4];
	_ =	sdelay $0x3  }
0x33: {  	p0 =	seq.s32 s10, $0x1;
	s10 =	sld [smem:$0x3FB6];
	_ =	sdelay $0x3  }
0x34: {  	[smem:$0x3FB6] =	sst s10  }
0x35: {  	s10 =	sld [smem:$0x3FB5];
	_ =	sdelay $0x3  }
0x36: {  	p1 =	seq.s32 s10, $0x1;
	s10 =	sld [smem:$0x3FB6];
	_ =	sdelay $0x3  }
0x37: {  	[smem:$0x3FB6] =	sst s10  }
0x38: {  	s10 =	sld [smem:$0x3FB7]  }
0x39: {  	_ = 	snop;
	(pc) =	sbr.ind lr, $3  }
0x3a: {  	_ = 	snop  }
0x3b: {  	_ = 	snop  }
0x3c: {  	p2 =	seq.s32 s10, $0x1;
	s10 =	sld [smem:$0x3FB6]  }
0x3d: {  	_ =	shalt  }
0x3e: {  	_ =	shalt  }
0x3f: {  	_ =	shalt  }
0x40: {  	_ =	shalt  }
0x41: {  	_ =	shalt  }
0x42: {  	_ =	shalt  }
0x43: {  	_ =	shalt  }
0x44: {  	_ =	shalt  }
0x45: {  	_ =	shalt  }
0x46: {  	_ =	shalt  }
0x47: {  	_ =	shalt  }
0x48: {  	_ =	shalt  }
0x49: {  	_ =	shalt  }
0x4a: {  	_ =	shalt  }
0x4b: {  	_ =	shalt  }
0x4c: {  	_ =	shalt  }
0x4d: {  	_ =	shalt  }
0x4e: {  	_ =	shalt  }
0x4f: {  	_ =	shalt  }
0x50: {  	_ =	shalt  }
0x51: {  	_ =	shalt  }
0x52: {  	_ =	shalt  }
0x53: {  	_ =	shalt  }
0x54: {  	_ =	shalt  }
0x55: {  	_ =	shalt  }
0x56: {  	_ =	shalt  }
0x57: {  	_ =	shalt  }
0x58: {  	_ =	shalt  }
0x59: {  	_ =	shalt  }
0x5a: {  	_ =	shalt  }
0x5b: {  	_ =	shalt  }
0x5c: {  	_ =	shalt  }
0x5d: {  	_ =	shalt  }
0x5e: {  	_ =	shalt  }
0x5f: {  	_ =	shalt  }
0x60: {  	_ =	shalt  }
0x61: {  	_ =	shalt  }
0x62: {  	_ =	shalt  }
0x63: {  	_ =	shalt  }
0x64: {  	_ =	shalt  }
0x65: {  	_ =	shalt  }
0x66: {  	_ =	shalt  }
0x67: {  	_ =	shalt  }
0x68: {  	_ =	shalt  }
0x69: {  	_ =	shalt  }
0x6a: {  	_ =	shalt  }
0x6b: {  	_ =	shalt  }
0x6c: {  	_ =	shalt  }
0x6d: {  	_ =	shalt  }
0x6e: {  	_ =	shalt  }
0x6f: {  	_ =	shalt  }
0x70: {  	_ =	shalt  }
0x71: {  	_ =	shalt  }
0x72: {  	_ =	shalt  }
0x73: {  	_ =	shalt  }
0x74: {  	_ =	shalt  }
0x75: {  	_ =	shalt  }
0x76: {  	_ =	shalt  }
0x77: {  	_ =	shalt  }
0x78: {  	_ =	shalt  }
0x79: {  	_ =	shalt  }
0x7a: {  	_ =	shalt  }
0x7b: {  	_ =	shalt  }
0x7c: {  	_ =	shalt  }
0x7d: {  	_ =	shalt  }
0x7e: {  	_ =	shalt  }
0x7f: {  	_ =	shalt  }
0x80: {  	_ =	shalt  }
0x81: {  	_ =	shalt  }
0x82: {  	_ =	shalt  }
0x83: {  	_ =	shalt  }
0x84: {  	_ =	shalt  }
0x85: {  	_ =	shalt  }
0x86: {  	_ =	shalt  }
0x87: {  	_ =	shalt  }
.Lfunc_end0:
.L_simem_size_0:
called_computation_lowered:
.L_overlay_start_0:
0x88: {  	s2 =	sld [smem:$0x3FD9]  }
0x89: {  	s3 =	sld [smem:$0x3FFE];
	_ =	sdelay $0x1  }
0x8a: {  	s1 =	srdreg.scid  }
0x8b: {  	s0 =	sand.u32 $0x1, s1  }
0x8c: {  	s17 =	sshll.u32 s0, $0xA;
	s2 =	sadd.s32 s3, s2  }
0x8d: {  	s2 =	sadd.s32 s2, s17  }
0x8e: {  	[smem:$0x3FC2] =	sst s2  }
0x8f: {  	_ = 	snop  }
0x90: {  	s2 =	sld [smem:$0x3FC8]  }
0x91: {  	s18 =	sld [smem:$0x3FD0];
	(tm) =	ssettm $0x1  }
0x92: {  	s4 =	sld [smem:$0x3FFB];
	_ =	sdelay $0x3  }
0x93: {  	_ =	strace s4  }
0x94: {  	s4 =	sld [smem:$0x3FFC];
	_ =	sdelay $0x3  }
0x95: {  	_ =	strace s4  }
0x96: {  	s4 =	sld [smem:$0x3FFD];
	_ =	sdelay $0x3  }
0x97: {  	_ =	strace s4  }
0x98: {  	_ =	strace $0x8FFFFFFF  }
0x99: {  	s19 =	sld [smem:$0x3FDB];
	_ =	sdelay $0x1  }
0x9a: {  	s5 =	simm.s32 $_scs_section_size  }
0x9b: {  	s6 =	simm.s32 $_size__tile_overlayer_lowered;
	s7 =	simm.s32 $_tile_overlayer_lowered  }
0x9c: {  	s22 =	simm.s32 $0x1BFF;
	s21 =	sshll.u32 s7, $0x1;
	s4 =	sadd.s32 s5, s19  }
0x9d: {  	s8 =	simm.s32 $0x0;
	s20 =	sshll.u32 s6, $0x1;
	s6 =	sadd.s32 s21, s4  }
0x9e: {  	[timem:s8], [sflag:s22] =	dma.local [hbm:s6], s20  }
0x9f: {  	_ =	swait.ge [sflag:s22], s20  }
0xa0: {  	s5 =	ssub.s32 $0x0, s20;
	[sflag:s22] =	ssyncset.done $0x0  }
0xa1: {  	[sflag:s22] =	ssyncadd.s32 s5;
	_ =	sdelay $0x1  }
0xa2: {  	s23 =	simm.s32 $0x1B8B  }
0xa3: {  	_ =	swait.ge [sflag:s23], $0x1  }
0xa4: {  	[sflag:s23] =	ssyncset.done $0x0  }
0xa5: {  	s25 =	simm.s32 $0x1B8E;
	s24 =	sld [smem:$0x3FFE];
	[sflag:s23] =	ssyncadd.s32 $0xFFFFFFFF  }
0xa6: {  	s26 =	simm.s32 $execute0_lowered;
	[smem:$0x3FD2] =	sst s25  }
0xa7: {  	s6 =	sshll.u32 s26, $0x1;
	_ =	strace $0x80000046;
	[dreg:$0x1] =	wrdreg $0xFFFFFFFF  }
0xa8: {  	s28 =	simm.s32 $_size_execute0_lowered;
	s4 =	sadd.s32 s4, s6;
	[dreg:$0x0] =	wrdreg $0x0  }
0xa9: {  	s6 =	sshll.u32 s28, $0x1;
	[dreg:$0x2] =	wrdreg s4  }
0xaa: {  	[dreg:$0x3] =	wrdreg s6  }
0xab: {  	[dreg:$0x4] =	wrdreg $0xC0  }
0xac: {  	_ =	task [dreg:s8], $0x5FFFF  }
0xad: {  	[dreg:$0x1] =	wrdreg $0xFFFFFFFF  }
0xae: {  	[dreg:$0x0] =	wrdreg $0x60  }
0xaf: {  	[dreg:$0x2] =	wrdreg s24  }
0xb0: {  	[dreg:$0x3] =	wrdreg s2  }
0xb1: {  	[dreg:$0x4] =	wrdreg s18  }
0xb2: {  	[dreg:$0x5] =	wrdreg $0x9  }
0xb3: {  	_ =	task.clear_ibuf [dreg:s8], $0x6FFFF;
	_ =	strace $0x90000046  }
0xb4: {  	s29 =	simm.s32 $0x9;
	_ =	strace $0x80000048  }
0xb5: {  	_ =	swait.ge [sflag:s29], $0x1  }
0xb6: {  	[sflag:s29] =	ssyncadd.s32 $0xFFFFFFFF  }
0xb7: {  	_ =	strace $0x90000048  }
0xb8: {  	_ =	sfence  }
0xb9: {  	s30 =	sld [smem:$0x0];
	_ =	sdelay $0x2  }
0xba: {  	s31 =	sshll.u32 s1, $0xD;
	s1 =	sshrl.u32 s1, $0x2  }
0xbb: {  	s3 =	sand.u32 $0x4000, s31;
	s1 =	sadd.s32 s1, s30  }
0xbc: {  	s0 =	sor.u32 s3, s0;
	s1 =	sshll.u32 s1, $0x11  }
0xbd: {  	s0 =	sor.u32 s1, s0  }
0xbe: {  	s0 =	sadd.s32 $0x8F2B, s0  }
0xbf: {  	[sflag:s0] =	ssyncadd.remote.s32 $0x1  }
0xc0: {  	_ =	sfence.sel $0xFFFF  }
0xc1: {  	[dreg:$0x0] =	wrdreg $0xFFFFFFFF;
	(pc) =	sbr.abs _section_cstart, $3  }
0xc2: {  	[dreg:$0x1] =	wrdreg $0xFFFFFFFF  }
0xc3: {  	_ =	task.clear_ibuf [dreg:s8], $0x2FFFF;
	_ =	strace $0x9FFFFFFF  }
0xc4: {  	(tm) =	ssettm $0x7FFFFFFF  }
0xc5: {  	_ =	shalt  }
tec
execute0_lowered:
.L_overlay_start_1:
0x0: {  	(tag) =	ssettag $0x1  }
0x1: {  	s4 =	rddreg [dreg:$0x0]  }
0x2: {  	s2 =	rddreg [dreg:$0x1];
	s1 =	srdreg.scid  }
0x3: {  	s0 =	stileid.u32;
	s5 =	rddreg [dreg:$0x2];
	s3 =	simm.s32 $0x0  }
0x4: {  	s10 =	simm.s32 $0x140;
	s11 =	simm.s32 $0xC800;
	s12 =	simm.s32 $0x1E0  }
0x5: {  	s13 =	simm.s32 $0x11800;
	s14 =	simm.s32 $0x280;
	s15 =	simm.s32 $0x16800  }
0x6: {  	s16 =	simm.s32 $0x1;
	s17 =	simm.s32 $0x2;
	s18 =	simm.s32 $0x0  }
0x7: {  	s6 =	sand.u32 $0x1, s1;
	s7 =	sshll.u32 s0, $0x1;
	s1 =	rddreg [dreg:$0x3]  }
0x8: {  	[smem:$0x7FF] =	sst s3;
	s7 =	sor.u32 s6, s7;
	s6 =	ssub.s32 $0x2, s6  }
0x9: {  	s8 =	smul.u32 $0x500, s7;
	s9 =	sshrl.u32 s6, $0x1;
	s7 =	sshll.u32 s7, $0xD  }
0xa: {  	_ =	strace $0x80000047;
	s6 =	ssub.s32 s6, s9;
	s5 =	sadd.s32 s5, s7  }
0xb: {  	s7 =	simm.s32 $0x3;
	s9 =	simm.s32 $0x7800;
	s4 =	sadd.s32 s8, s4  }
0xc: {  	s6 =	smax.u32 s6, $0x1;
	s8 =	simm.s32 $0xA0;
	s4 =	sadd.s32 $0xE00, s4  }
.LBB2_1:
0xd: {  	[tilespmem:s3], [sflag:$0x3] =	stream.linear.gather [hbm4b:s4+s3], $0x2800, $0x38;
	[tilespmem:$0x1CC00] =	vst v63  }
0xe: {  	_ =	swait.ge [sflag:s7], $0x2800  }
0xf: {  	[sflag:s7] =	ssyncset.done $0x0  }
0x10: {  	s19 =	simm.s32 $0x2800;
	[sflag:s7] =	ssyncadd.s32 $0xFFFFD800  }
0x11: {  	[tilespmem:s19], [sflag:$0x1] =	stream.indirect.gather [hbm4b:s2+s8], $0x80, s3, s8, $0xb8;
	[tilespmem:$0x1CC00] =	vst v63  }
0x12: {  	_ = 	snop  }
0x13: {  	[tilespmem:s9], [sflag:$0x1] =	stream.indirect.gather [hbm4b:s2+s8], $0x80, s8, s8, $0xb8;
	[tilespmem:$0x1CC00] =	vst v63  }
0x14: {  	_ = 	snop  }
0x15: {  	[tilespmem:s11], [sflag:$0x1] =	stream.indirect.gather [hbm4b:s2+s8], $0x80, s10, s8, $0xb8;
	[tilespmem:$0x1CC00] =	vst v63  }
0x16: {  	_ = 	snop  }
0x17: {  	[tilespmem:s13], [sflag:$0x1] =	stream.indirect.gather [hbm4b:s2+s8], $0x80, s12, s8, $0xb8;
	[tilespmem:$0x1CC00] =	vst v63  }
0x18: {  	s20 =	simm.s32 $0x1B870;
	s21 =	simm.s32 $0x0  }
0x19: {  	[tilespmem:s15], [sflag:$0x1] =	stream.indirect.gather [hbm4b:s2+s8], $0x80, s14, s8, $0xb8;
	[tilespmem:$0x1CC00] =	vst v63  }
.LBB2_2:
0x1a: {  	s22 =	smulhi.u32 $0xCCCCCCCD, s21;
	_ =	sdelay $0x1  }
0x1b: {  	s23 =	smul.u32 $0xCD, s21;
	s22 =	sshrl.u32 s22, $0x2  }
0x1c: {  	s24 =	smul.u32 $0xFFFFB000, s22  }
0x1d: {  	s23 =	sshrl.u32 s23, $0xA;
	s22 =	smul.u32 $0xFFF9C000, s22  }
0x1e: {  	_ =	swait.ge [sflag:s16], $0x5000;
	p0 =	slt.u32 s21, $0x5;
	s23 =	sand.u32 $0x3F, s23  }
0x1f: {  	[sflag:s16] =	ssyncset.done $0x0;
	s23 =	smul.u32 $0x5, s23;
	s22 =	sshra.s32 s22, $0x2  }
0x20: {  	s25 =	simm.s32 @!p0 $0x2;
	[sflag:s16] =	ssyncadd.s32 $0xFFFFB000;
	s26 =	sadd.s32 s22, s19  }
0x21: {  	_ =	swait.ge @!p0 [sflag:s25], $0x400;
	s23 =	ssub.s32 s21, s23;
	v0 =	vmov s26  }
0x22: {  	[sflag:s25] =	ssyncset.done @!p0 $0x0;
	s31 =	sand.u32 $0xFF, s23  }
0x23: {  	s24 =	sshra.s32 s24, $0x2;
	[sflag:s25] =	ssyncadd.s32 @!p0 $0xFFFFFC00;
	s22 =	sshll.u32 s31, $0xA  }
0x24: {  	v1 =	vmov s24;
	s24 =	smov.u32 s20;
	s23 =	simm.s32 $0x0;
	s22 =	sadd.s32 $0x1B800, s22  }
.LBB2_3:
0x25: {  	s25 =	sshra.s32 s23, $0x2  }
0x26: {  	v2 =	vld.idx.msk [tilespmem:v0+s25+$0x0 ss:$0x1], $0xffff  }
0x27: {  	v3 =	vld.idx.msk [tilespmem:v0+s25+$0x80 ss:$0x1], $0xffff  }
0x28: {  	v4 =	vld.idx.msk [tilespmem:v0+s25+$0x100 ss:$0x1], $0xffff  }
0x29: {  	v5 =	vld.idx.msk [tilespmem:v0+s25+$0x180 ss:$0x1], $0xffff  }
0x2a: {  	v6 =	vld.idx.msk [tilespmem:v0+s25+$0x200 ss:$0x1], $0xffff  }
0x2b: {  	v7 =	vld.idx.msk [tilespmem:v0+s25+$0x280 ss:$0x1], $0xffff  }
0x2c: {  	v8 =	vld.idx.msk [tilespmem:v0+s25+$0x300 ss:$0x1], $0xffff  }
0x2d: {  	v9 =	vld.idx.msk [tilespmem:v0+s25+$0x380 ss:$0x1], $0xffff  }
0x2e: {  	v10 =	vld.idx.msk [tilespmem:v0+s25+$0x400 ss:$0x1], $0xffff  }
0x2f: {  	v11 =	vld.idx.msk [tilespmem:v0+s25+$0x480 ss:$0x1], $0xffff  }
0x30: {  	v12 =	vld.idx.msk [tilespmem:v0+s25+$0x500 ss:$0x1], $0xffff  }
0x31: {  	v13 =	vld.idx.msk [tilespmem:v0+s25+$0x580 ss:$0x1], $0xffff  }
0x32: {  	v14 =	vld.idx.msk [tilespmem:v0+s25+$0x600 ss:$0x1], $0xffff  }
0x33: {  	v15 =	vld.idx.msk [tilespmem:v0+s25+$0x680 ss:$0x1], $0xffff  }
0x34: {  	v16 =	vld.idx.msk [tilespmem:v0+s25+$0x700 ss:$0x1], $0xffff  }
0x35: {  	v17 =	vld.idx.msk [tilespmem:v0+s25+$0x780 ss:$0x1], $0xffff  }
0x36: {  	v18 =	vld.idx.msk [tilespmem:v0+s25+$0x800 ss:$0x1], $0xffff  }
0x37: {  	v19 =	vld.idx.msk [tilespmem:v0+s25+$0x880 ss:$0x1], $0xffff  }
0x38: {  	v20 =	vld.idx.msk [tilespmem:v0+s25+$0x900 ss:$0x1], $0xffff;
	v2 =	vadd.f32 v3, v2;
	v3 =	vadd.f32 v5, v4  }
0x39: {  	v25 =	vld.idx.msk [tilespmem:v0+s25+$0x980 ss:$0x1], $0xffff;
	v26 =	vadd.f32 v7, v6;
	v27 =	vadd.f32 v9, v8  }
0x3a: {  	v28 =	vadd.f32 v11, v10;
	v29 =	vadd.f32 v13, v12  }
0x3b: {  	v30 =	vadd.f32 v15, v14;
	v31 =	vadd.f32 v17, v16  }
0x3c: {  	v2 =	vadd.f32 v3, v2;
	v3 =	vadd.f32 v27, v26  }
0x3d: {  	v32 =	vadd.f32 v29, v28;
	v33 =	vadd.f32 v31, v30  }
0x3e: {  	v34 =	vadd.f32 v19, v18;
	v4 =	vadd.f32 v25, v20  }
0x3f: {  	v2 =	vadd.f32 v3, v2;
	v3 =	vadd.f32 v33, v32;
	_ =	sdelay $0x1  }
0x40: {  	v4 =	vadd.f32 v4, v34;
	v2 =	vadd.f32 v3, v2;
	_ =	sdelay $0x1  }
0x41: {  	v2 =	vadd.f32 v4, v2;
	_ =	sdelay $0x1  }
0x42: {  	[tilespmem:v1+s24+$0xFFFFFF90 ss:$0x1] =	vst.idx.msk $0xffff, v2  }
0x43: {  	v2 =	vld.idx.msk [tilespmem:v0+s25+$0x10 ss:$0x1], $0xffff  }
0x44: {  	v3 =	vld.idx.msk [tilespmem:v0+s25+$0x90 ss:$0x1], $0xffff  }
0x45: {  	v35 =	vld.idx.msk [tilespmem:v0+s25+$0x110 ss:$0x1], $0xffff  }
0x46: {  	v36 =	vld.idx.msk [tilespmem:v0+s25+$0x190 ss:$0x1], $0xffff  }
0x47: {  	v37 =	vld.idx.msk [tilespmem:v0+s25+$0x210 ss:$0x1], $0xffff  }
0x48: {  	v38 =	vld.idx.msk [tilespmem:v0+s25+$0x290 ss:$0x1], $0xffff  }
0x49: {  	v39 =	vld.idx.msk [tilespmem:v0+s25+$0x310 ss:$0x1], $0xffff  }
0x4a: {  	v40 =	vld.idx.msk [tilespmem:v0+s25+$0x390 ss:$0x1], $0xffff  }
0x4b: {  	v41 =	vld.idx.msk [tilespmem:v0+s25+$0x410 ss:$0x1], $0xffff  }
0x4c: {  	v42 =	vld.idx.msk [tilespmem:v0+s25+$0x490 ss:$0x1], $0xffff  }
0x4d: {  	v43 =	vld.idx.msk [tilespmem:v0+s25+$0x510 ss:$0x1], $0xffff  }
0x4e: {  	v44 =	vld.idx.msk [tilespmem:v0+s25+$0x590 ss:$0x1], $0xffff  }
0x4f: {  	v45 =	vld.idx.msk [tilespmem:v0+s25+$0x610 ss:$0x1], $0xffff  }
0x50: {  	v46 =	vld.idx.msk [tilespmem:v0+s25+$0x690 ss:$0x1], $0xffff  }
0x51: {  	v47 =	vld.idx.msk [tilespmem:v0+s25+$0x710 ss:$0x1], $0xffff  }
0x52: {  	v48 =	vld.idx.msk [tilespmem:v0+s25+$0x790 ss:$0x1], $0xffff  }
0x53: {  	v49 =	vld.idx.msk [tilespmem:v0+s25+$0x810 ss:$0x1], $0xffff  }
0x54: {  	v50 =	vld.idx.msk [tilespmem:v0+s25+$0x890 ss:$0x1], $0xffff  }
0x55: {  	v51 =	vld.idx.msk [tilespmem:v0+s25+$0x910 ss:$0x1], $0xffff;
	v2 =	vadd.f32 v3, v2;
	v3 =	vadd.f32 v36, v35  }
0x56: {  	v52 =	vld.idx.msk [tilespmem:v0+s25+$0x990 ss:$0x1], $0xffff;
	v53 =	vadd.f32 v38, v37;
	v54 =	vadd.f32 v40, v39  }
0x57: {  	v55 =	vadd.f32 v42, v41;
	v56 =	vadd.f32 v44, v43  }
0x58: {  	v57 =	vadd.f32 v46, v45;
	v58 =	vadd.f32 v48, v47  }
0x59: {  	v2 =	vadd.f32 v3, v2;
	v3 =	vadd.f32 v54, v53  }
0x5a: {  	v59 =	vadd.f32 v56, v55;
	v60 =	vadd.f32 v58, v57  }
0x5b: {  	v61 =	vadd.f32 v50, v49;
	v4 =	vadd.f32 v52, v51  }
0x5c: {  	v2 =	vadd.f32 v3, v2;
	v3 =	vadd.f32 v60, v59;
	_ =	sdelay $0x1  }
0x5d: {  	v4 =	vadd.f32 v4, v61;
	v2 =	vadd.f32 v3, v2;
	_ =	sdelay $0x1  }
0x5e: {  	v2 =	vadd.f32 v4, v2;
	_ =	sdelay $0x1  }
0x5f: {  	[tilespmem:v1+s24+$0xFFFFFFA0 ss:$0x1] =	vst.idx.msk $0xffff, v2  }
0x60: {  	v2 =	vld.idx.msk [tilespmem:v0+s25+$0x20 ss:$0x1], $0xffff  }
0x61: {  	v3 =	vld.idx.msk [tilespmem:v0+s25+$0xA0 ss:$0x1], $0xffff  }
0x62: {  	v62 =	vld.idx.msk [tilespmem:v0+s25+$0x120 ss:$0x1], $0xffff  }
0x63: {  	v63 =	vld.idx.msk [tilespmem:v0+s25+$0x1A0 ss:$0x1], $0xffff  }
0x64: {  	v24 =	vld.idx.msk [tilespmem:v0+s25+$0x220 ss:$0x1], $0xffff  }
0x65: {  	v25 =	vld.idx.msk [tilespmem:v0+s25+$0x2A0 ss:$0x1], $0xffff  }
0x66: {  	v26 =	vld.idx.msk [tilespmem:v0+s25+$0x320 ss:$0x1], $0xffff  }
0x67: {  	v27 =	vld.idx.msk [tilespmem:v0+s25+$0x3A0 ss:$0x1], $0xffff  }
0x68: {  	v28 =	vld.idx.msk [tilespmem:v0+s25+$0x420 ss:$0x1], $0xffff  }
0x69: {  	v29 =	vld.idx.msk [tilespmem:v0+s25+$0x4A0 ss:$0x1], $0xffff  }
0x6a: {  	v30 =	vld.idx.msk [tilespmem:v0+s25+$0x520 ss:$0x1], $0xffff  }
0x6b: {  	v31 =	vld.idx.msk [tilespmem:v0+s25+$0x5A0 ss:$0x1], $0xffff  }
0x6c: {  	v32 =	vld.idx.msk [tilespmem:v0+s25+$0x620 ss:$0x1], $0xffff  }
0x6d: {  	v33 =	vld.idx.msk [tilespmem:v0+s25+$0x6A0 ss:$0x1], $0xffff  }
0x6e: {  	v34 =	vld.idx.msk [tilespmem:v0+s25+$0x720 ss:$0x1], $0xffff  }
0x6f: {  	v35 =	vld.idx.msk [tilespmem:v0+s25+$0x7A0 ss:$0x1], $0xffff  }
0x70: {  	v36 =	vld.idx.msk [tilespmem:v0+s25+$0x820 ss:$0x1], $0xffff  }
0x71: {  	v37 =	vld.idx.msk [tilespmem:v0+s25+$0x8A0 ss:$0x1], $0xffff  }
0x72: {  	v38 =	vld.idx.msk [tilespmem:v0+s25+$0x920 ss:$0x1], $0xffff;
	v2 =	vadd.f32 v3, v2;
	v3 =	vadd.f32 v63, v62  }
0x73: {  	v39 =	vld.idx.msk [tilespmem:v0+s25+$0x9A0 ss:$0x1], $0xffff;
	v40 =	vadd.f32 v25, v24;
	v41 =	vadd.f32 v27, v26  }
0x74: {  	v42 =	vadd.f32 v29, v28;
	v43 =	vadd.f32 v31, v30  }
0x75: {  	v44 =	vadd.f32 v33, v32;
	v45 =	vadd.f32 v35, v34  }
0x76: {  	v2 =	vadd.f32 v3, v2;
	v3 =	vadd.f32 v41, v40  }
0x77: {  	v46 =	vadd.f32 v43, v42;
	v47 =	vadd.f32 v45, v44  }
0x78: {  	v48 =	vadd.f32 v37, v36;
	v4 =	vadd.f32 v39, v38  }
0x79: {  	v2 =	vadd.f32 v3, v2;
	v3 =	vadd.f32 v47, v46;
	_ =	sdelay $0x1  }
0x7a: {  	v4 =	vadd.f32 v4, v48;
	v2 =	vadd.f32 v3, v2;
	_ =	sdelay $0x1  }
0x7b: {  	v2 =	vadd.f32 v4, v2;
	_ =	sdelay $0x1  }
0x7c: {  	[tilespmem:v1+s24+$0xFFFFFFB0 ss:$0x1] =	vst.idx.msk $0xffff, v2  }
0x7d: {  	v2 =	vld.idx.msk [tilespmem:v0+s25+$0x30 ss:$0x1], $0xffff  }
0x7e: {  	v3 =	vld.idx.msk [tilespmem:v0+s25+$0xB0 ss:$0x1], $0xffff  }
0x7f: {  	v49 =	vld.idx.msk [tilespmem:v0+s25+$0x130 ss:$0x1], $0xffff  }
0x80: {  	v50 =	vld.idx.msk [tilespmem:v0+s25+$0x1B0 ss:$0x1], $0xffff  }
0x81: {  	v51 =	vld.idx.msk [tilespmem:v0+s25+$0x230 ss:$0x1], $0xffff  }
0x82: {  	v52 =	vld.idx.msk [tilespmem:v0+s25+$0x2B0 ss:$0x1], $0xffff  }
0x83: {  	v53 =	vld.idx.msk [tilespmem:v0+s25+$0x330 ss:$0x1], $0xffff  }
0x84: {  	v54 =	vld.idx.msk [tilespmem:v0+s25+$0x3B0 ss:$0x1], $0xffff  }
0x85: {  	v55 =	vld.idx.msk [tilespmem:v0+s25+$0x430 ss:$0x1], $0xffff  }
0x86: {  	v56 =	vld.idx.msk [tilespmem:v0+s25+$0x4B0 ss:$0x1], $0xffff  }
0x87: {  	v57 =	vld.idx.msk [tilespmem:v0+s25+$0x530 ss:$0x1], $0xffff  }
0x88: {  	v58 =	vld.idx.msk [tilespmem:v0+s25+$0x5B0 ss:$0x1], $0xffff  }
0x89: {  	v59 =	vld.idx.msk [tilespmem:v0+s25+$0x630 ss:$0x1], $0xffff  }
0x8a: {  	v60 =	vld.idx.msk [tilespmem:v0+s25+$0x6B0 ss:$0x1], $0xffff  }
0x8b: {  	v61 =	vld.idx.msk [tilespmem:v0+s25+$0x730 ss:$0x1], $0xffff  }
0x8c: {  	v62 =	vld.idx.msk [tilespmem:v0+s25+$0x7B0 ss:$0x1], $0xffff  }
0x8d: {  	v63 =	vld.idx.msk [tilespmem:v0+s25+$0x830 ss:$0x1], $0xffff  }
0x8e: {  	v24 =	vld.idx.msk [tilespmem:v0+s25+$0x8B0 ss:$0x1], $0xffff  }
0x8f: {  	v25 =	vld.idx.msk [tilespmem:v0+s25+$0x930 ss:$0x1], $0xffff;
	v2 =	vadd.f32 v3, v2;
	v3 =	vadd.f32 v50, v49  }
0x90: {  	v26 =	vld.idx.msk [tilespmem:v0+s25+$0x9B0 ss:$0x1], $0xffff;
	v27 =	vadd.f32 v52, v51;
	v28 =	vadd.f32 v54, v53  }
0x91: {  	v29 =	vadd.f32 v56, v55;
	v30 =	vadd.f32 v58, v57  }
0x92: {  	v31 =	vadd.f32 v60, v59;
	v32 =	vadd.f32 v62, v61  }
0x93: {  	v2 =	vadd.f32 v3, v2;
	v3 =	vadd.f32 v28, v27  }
0x94: {  	v33 =	vadd.f32 v30, v29;
	v34 =	vadd.f32 v32, v31  }
0x95: {  	v35 =	vadd.f32 v24, v63;
	v4 =	vadd.f32 v26, v25  }
0x96: {  	v2 =	vadd.f32 v3, v2;
	v3 =	vadd.f32 v34, v33;
	_ =	sdelay $0x1  }
0x97: {  	v4 =	vadd.f32 v4, v35;
	v2 =	vadd.f32 v3, v2;
	_ =	sdelay $0x1  }
0x98: {  	v2 =	vadd.f32 v4, v2;
	_ =	sdelay $0x1  }
0x99: {  	[tilespmem:v1+s24+$0xFFFFFFC0 ss:$0x1] =	vst.idx.msk $0xffff, v2  }
0x9a: {  	v2 =	vld.idx.msk [tilespmem:v0+s25+$0x40 ss:$0x1], $0xffff  }
0x9b: {  	v3 =	vld.idx.msk [tilespmem:v0+s25+$0xC0 ss:$0x1], $0xffff  }
0x9c: {  	v36 =	vld.idx.msk [tilespmem:v0+s25+$0x140 ss:$0x1], $0xffff  }
0x9d: {  	v37 =	vld.idx.msk [tilespmem:v0+s25+$0x1C0 ss:$0x1], $0xffff  }
0x9e: {  	v38 =	vld.idx.msk [tilespmem:v0+s25+$0x240 ss:$0x1], $0xffff  }
0x9f: {  	v39 =	vld.idx.msk [tilespmem:v0+s25+$0x2C0 ss:$0x1], $0xffff  }
0xa0: {  	v40 =	vld.idx.msk [tilespmem:v0+s25+$0x340 ss:$0x1], $0xffff  }
0xa1: {  	v41 =	vld.idx.msk [tilespmem:v0+s25+$0x3C0 ss:$0x1], $0xffff  }
0xa2: {  	v42 =	vld.idx.msk [tilespmem:v0+s25+$0x440 ss:$0x1], $0xffff  }
0xa3: {  	v43 =	vld.idx.msk [tilespmem:v0+s25+$0x4C0 ss:$0x1], $0xffff  }
0xa4: {  	v44 =	vld.idx.msk [tilespmem:v0+s25+$0x540 ss:$0x1], $0xffff  }
0xa5: {  	v45 =	vld.idx.msk [tilespmem:v0+s25+$0x5C0 ss:$0x1], $0xffff  }
0xa6: {  	v46 =	vld.idx.msk [tilespmem:v0+s25+$0x640 ss:$0x1], $0xffff  }
0xa7: {  	v47 =	vld.idx.msk [tilespmem:v0+s25+$0x6C0 ss:$0x1], $0xffff  }
0xa8: {  	v48 =	vld.idx.msk [tilespmem:v0+s25+$0x740 ss:$0x1], $0xffff  }
0xa9: {  	v49 =	vld.idx.msk [tilespmem:v0+s25+$0x7C0 ss:$0x1], $0xffff  }
0xaa: {  	v50 =	vld.idx.msk [tilespmem:v0+s25+$0x840 ss:$0x1], $0xffff  }
0xab: {  	v51 =	vld.idx.msk [tilespmem:v0+s25+$0x8C0 ss:$0x1], $0xffff  }
0xac: {  	v52 =	vld.idx.msk [tilespmem:v0+s25+$0x940 ss:$0x1], $0xffff;
	v2 =	vadd.f32 v3, v2;
	v3 =	vadd.f32 v37, v36  }
0xad: {  	v53 =	vld.idx.msk [tilespmem:v0+s25+$0x9C0 ss:$0x1], $0xffff;
	v54 =	vadd.f32 v39, v38;
	v55 =	vadd.f32 v41, v40  }
0xae: {  	v56 =	vadd.f32 v43, v42;
	v57 =	vadd.f32 v45, v44  }
0xaf: {  	v58 =	vadd.f32 v47, v46;
	v59 =	vadd.f32 v49, v48  }
0xb0: {  	v2 =	vadd.f32 v3, v2;
	v3 =	vadd.f32 v55, v54  }
0xb1: {  	v60 =	vadd.f32 v57, v56;
	v61 =	vadd.f32 v59, v58  }
0xb2: {  	v62 =	vadd.f32 v51, v50;
	v4 =	vadd.f32 v53, v52  }
0xb3: {  	v2 =	vadd.f32 v3, v2;
	v3 =	vadd.f32 v61, v60;
	_ =	sdelay $0x1  }
0xb4: {  	v4 =	vadd.f32 v4, v62;
	v2 =	vadd.f32 v3, v2;
	_ =	sdelay $0x1  }
0xb5: {  	v2 =	vadd.f32 v4, v2;
	_ =	sdelay $0x1  }
0xb6: {  	[tilespmem:v1+s24+$0xFFFFFFD0 ss:$0x1] =	vst.idx.msk $0xffff, v2  }
0xb7: {  	v2 =	vld.idx.msk [tilespmem:v0+s25+$0x50 ss:$0x1], $0xffff  }
0xb8: {  	v3 =	vld.idx.msk [tilespmem:v0+s25+$0xD0 ss:$0x1], $0xffff  }
0xb9: {  	v63 =	vld.idx.msk [tilespmem:v0+s25+$0x150 ss:$0x1], $0xffff  }
0xba: {  	v24 =	vld.idx.msk [tilespmem:v0+s25+$0x1D0 ss:$0x1], $0xffff  }
0xbb: {  	v25 =	vld.idx.msk [tilespmem:v0+s25+$0x250 ss:$0x1], $0xffff  }
0xbc: {  	v26 =	vld.idx.msk [tilespmem:v0+s25+$0x2D0 ss:$0x1], $0xffff  }
0xbd: {  	v27 =	vld.idx.msk [tilespmem:v0+s25+$0x350 ss:$0x1], $0xffff  }
0xbe: {  	v28 =	vld.idx.msk [tilespmem:v0+s25+$0x3D0 ss:$0x1], $0xffff  }
0xbf: {  	v29 =	vld.idx.msk [tilespmem:v0+s25+$0x450 ss:$0x1], $0xffff  }
0xc0: {  	v30 =	vld.idx.msk [tilespmem:v0+s25+$0x4D0 ss:$0x1], $0xffff  }
0xc1: {  	v31 =	vld.idx.msk [tilespmem:v0+s25+$0x550 ss:$0x1], $0xffff  }
0xc2: {  	v32 =	vld.idx.msk [tilespmem:v0+s25+$0x5D0 ss:$0x1], $0xffff  }
0xc3: {  	v33 =	vld.idx.msk [tilespmem:v0+s25+$0x650 ss:$0x1], $0xffff  }
0xc4: {  	v34 =	vld.idx.msk [tilespmem:v0+s25+$0x6D0 ss:$0x1], $0xffff  }
0xc5: {  	v35 =	vld.idx.msk [tilespmem:v0+s25+$0x750 ss:$0x1], $0xffff  }
0xc6: {  	v36 =	vld.idx.msk [tilespmem:v0+s25+$0x7D0 ss:$0x1], $0xffff  }
0xc7: {  	v37 =	vld.idx.msk [tilespmem:v0+s25+$0x850 ss:$0x1], $0xffff  }
0xc8: {  	v38 =	vld.idx.msk [tilespmem:v0+s25+$0x8D0 ss:$0x1], $0xffff  }
0xc9: {  	v39 =	vld.idx.msk [tilespmem:v0+s25+$0x950 ss:$0x1], $0xffff;
	v2 =	vadd.f32 v3, v2;
	v3 =	vadd.f32 v24, v63  }
0xca: {  	v40 =	vld.idx.msk [tilespmem:v0+s25+$0x9D0 ss:$0x1], $0xffff;
	v41 =	vadd.f32 v26, v25;
	v42 =	vadd.f32 v28, v27  }
0xcb: {  	v43 =	vadd.f32 v30, v29;
	v44 =	vadd.f32 v32, v31  }
0xcc: {  	v45 =	vadd.f32 v34, v33;
	v46 =	vadd.f32 v36, v35  }
0xcd: {  	v2 =	vadd.f32 v3, v2;
	v3 =	vadd.f32 v42, v41  }
0xce: {  	v47 =	vadd.f32 v44, v43;
	v48 =	vadd.f32 v46, v45  }
0xcf: {  	v49 =	vadd.f32 v38, v37;
	v4 =	vadd.f32 v40, v39  }
0xd0: {  	v2 =	vadd.f32 v3, v2;
	v3 =	vadd.f32 v48, v47;
	_ =	sdelay $0x1  }
0xd1: {  	v4 =	vadd.f32 v4, v49;
	v2 =	vadd.f32 v3, v2;
	_ =	sdelay $0x1  }
0xd2: {  	v2 =	vadd.f32 v4, v2;
	_ =	sdelay $0x1  }
0xd3: {  	[tilespmem:v1+s24+$0xFFFFFFE0 ss:$0x1] =	vst.idx.msk $0xffff, v2  }
0xd4: {  	v2 =	vld.idx.msk [tilespmem:v0+s25+$0x60 ss:$0x1], $0xffff  }
0xd5: {  	v3 =	vld.idx.msk [tilespmem:v0+s25+$0xE0 ss:$0x1], $0xffff  }
0xd6: {  	v50 =	vld.idx.msk [tilespmem:v0+s25+$0x160 ss:$0x1], $0xffff  }
0xd7: {  	v51 =	vld.idx.msk [tilespmem:v0+s25+$0x1E0 ss:$0x1], $0xffff  }
0xd8: {  	v52 =	vld.idx.msk [tilespmem:v0+s25+$0x260 ss:$0x1], $0xffff  }
0xd9: {  	v53 =	vld.idx.msk [tilespmem:v0+s25+$0x2E0 ss:$0x1], $0xffff  }
0xda: {  	v54 =	vld.idx.msk [tilespmem:v0+s25+$0x360 ss:$0x1], $0xffff  }
0xdb: {  	v55 =	vld.idx.msk [tilespmem:v0+s25+$0x3E0 ss:$0x1], $0xffff  }
0xdc: {  	v56 =	vld.idx.msk [tilespmem:v0+s25+$0x460 ss:$0x1], $0xffff  }
0xdd: {  	v57 =	vld.idx.msk [tilespmem:v0+s25+$0x4E0 ss:$0x1], $0xffff  }
0xde: {  	v58 =	vld.idx.msk [tilespmem:v0+s25+$0x560 ss:$0x1], $0xffff  }
0xdf: {  	v59 =	vld.idx.msk [tilespmem:v0+s25+$0x5E0 ss:$0x1], $0xffff  }
0xe0: {  	v60 =	vld.idx.msk [tilespmem:v0+s25+$0x660 ss:$0x1], $0xffff  }
0xe1: {  	v61 =	vld.idx.msk [tilespmem:v0+s25+$0x6E0 ss:$0x1], $0xffff  }
0xe2: {  	v62 =	vld.idx.msk [tilespmem:v0+s25+$0x760 ss:$0x1], $0xffff  }
0xe3: {  	v63 =	vld.idx.msk [tilespmem:v0+s25+$0x7E0 ss:$0x1], $0xffff  }
0xe4: {  	v24 =	vld.idx.msk [tilespmem:v0+s25+$0x860 ss:$0x1], $0xffff  }
0xe5: {  	v25 =	vld.idx.msk [tilespmem:v0+s25+$0x8E0 ss:$0x1], $0xffff  }
0xe6: {  	v26 =	vld.idx.msk [tilespmem:v0+s25+$0x960 ss:$0x1], $0xffff;
	v2 =	vadd.f32 v3, v2;
	v3 =	vadd.f32 v51, v50  }
0xe7: {  	v27 =	vld.idx.msk [tilespmem:v0+s25+$0x9E0 ss:$0x1], $0xffff;
	v28 =	vadd.f32 v53, v52;
	v29 =	vadd.f32 v55, v54  }
0xe8: {  	v30 =	vadd.f32 v57, v56;
	v31 =	vadd.f32 v59, v58  }
0xe9: {  	v32 =	vadd.f32 v61, v60;
	v33 =	vadd.f32 v63, v62  }
0xea: {  	v2 =	vadd.f32 v3, v2;
	v3 =	vadd.f32 v29, v28  }
0xeb: {  	v34 =	vadd.f32 v31, v30;
	v35 =	vadd.f32 v33, v32  }
0xec: {  	v36 =	vadd.f32 v25, v24;
	v4 =	vadd.f32 v27, v26  }
0xed: {  	v2 =	vadd.f32 v3, v2;
	v3 =	vadd.f32 v35, v34;
	_ =	sdelay $0x1  }
0xee: {  	v4 =	vadd.f32 v4, v36;
	v2 =	vadd.f32 v3, v2;
	_ =	sdelay $0x1  }
0xef: {  	v2 =	vadd.f32 v4, v2;
	_ =	sdelay $0x1  }
0xf0: {  	[tilespmem:v1+s24+$0xFFFFFFF0 ss:$0x1] =	vst.idx.msk $0xffff, v2  }
0xf1: {  	v2 =	vld.idx.msk [tilespmem:v0+s25+$0x70 ss:$0x1], $0xffff  }
0xf2: {  	v3 =	vld.idx.msk [tilespmem:v0+s25+$0xF0 ss:$0x1], $0xffff  }
0xf3: {  	v37 =	vld.idx.msk [tilespmem:v0+s25+$0x170 ss:$0x1], $0xffff  }
0xf4: {  	v38 =	vld.idx.msk [tilespmem:v0+s25+$0x1F0 ss:$0x1], $0xffff  }
0xf5: {  	v39 =	vld.idx.msk [tilespmem:v0+s25+$0x270 ss:$0x1], $0xffff  }
0xf6: {  	v40 =	vld.idx.msk [tilespmem:v0+s25+$0x2F0 ss:$0x1], $0xffff  }
0xf7: {  	v41 =	vld.idx.msk [tilespmem:v0+s25+$0x370 ss:$0x1], $0xffff  }
0xf8: {  	v42 =	vld.idx.msk [tilespmem:v0+s25+$0x3F0 ss:$0x1], $0xffff  }
0xf9: {  	v43 =	vld.idx.msk [tilespmem:v0+s25+$0x470 ss:$0x1], $0xffff  }
0xfa: {  	v44 =	vld.idx.msk [tilespmem:v0+s25+$0x4F0 ss:$0x1], $0xffff  }
0xfb: {  	v45 =	vld.idx.msk [tilespmem:v0+s25+$0x570 ss:$0x1], $0xffff  }
0xfc: {  	v46 =	vld.idx.msk [tilespmem:v0+s25+$0x5F0 ss:$0x1], $0xffff  }
0xfd: {  	v47 =	vld.idx.msk [tilespmem:v0+s25+$0x670 ss:$0x1], $0xffff  }
0xfe: {  	v48 =	vld.idx.msk [tilespmem:v0+s25+$0x6F0 ss:$0x1], $0xffff  }
0xff: {  	v49 =	vld.idx.msk [tilespmem:v0+s25+$0x770 ss:$0x1], $0xffff  }
0x100: {  	v50 =	vld.idx.msk [tilespmem:v0+s25+$0x7F0 ss:$0x1], $0xffff  }
0x101: {  	v51 =	vld.idx.msk [tilespmem:v0+s25+$0x870 ss:$0x1], $0xffff  }
0x102: {  	v52 =	vld.idx.msk [tilespmem:v0+s25+$0x8F0 ss:$0x1], $0xffff  }
0x103: {  	v53 =	vld.idx.msk [tilespmem:v0+s25+$0x970 ss:$0x1], $0xffff;
	v2 =	vadd.f32 v3, v2;
	v3 =	vadd.f32 v38, v37  }
0x104: {  	v54 =	vld.idx.msk [tilespmem:v0+s25+$0x9F0 ss:$0x1], $0xffff;
	v55 =	vadd.f32 v40, v39;
	v56 =	vadd.f32 v42, v41  }
0x105: {  	v57 =	vadd.f32 v44, v43;
	v58 =	vadd.f32 v46, v45  }
0x106: {  	v59 =	vadd.f32 v48, v47;
	v60 =	vadd.f32 v50, v49  }
0x107: {  	v2 =	vadd.f32 v3, v2;
	v3 =	vadd.f32 v56, v55  }
0x108: {  	v61 =	vadd.f32 v58, v57;
	v62 =	vadd.f32 v60, v59  }
0x109: {  	v63 =	vadd.f32 v52, v51;
	v4 =	vadd.f32 v54, v53  }
0x10a: {  	v2 =	vadd.f32 v3, v2;
	v3 =	vadd.f32 v62, v61  }
0x10b: {  	p0 =	sne.s32 s23, $0x11800  }
.Ltmp0:
0x10c: {  	v4 =	vadd.f32 v4, v63;
	v2 =	vadd.f32 v3, v2;
	(pc) =	sbr.rel @p0 .LBB2_3-.Ltmp0, $3  }
0x10d: {  	_ = 	snop  }
0x10e: {  	v2 =	vadd.f32 v4, v2;
	_ =	sdelay $0x1  }
0x10f: {  	s23 =	sadd.s32 $0x2800, s23;
	[tilespmem:v1+s24+$0x0 ss:$0x1] =	vst.idx.msk $0xffff, v2;
	s24 =	sadd.s32 $0x80, s24  }
0x110: {  	p0 =	sgt.u32 s21, $0x3A  }
0x111: {  	s23 =	sadd.s32 @!p0 $0x5, s21  }
0x112: {  	s24 =	smul.u32 @!p0 $0xCD, s23;
	_ =	sdelay $0x1  }
0x113: {  	s24 =	sshrl.u32 @!p0 s24, $0xA  }
0x114: {  	s25 =	sshll.u32 s21, $0x7;
	s24 =	sand.u32 @!p0 $0x3F, s24  }
0x115: {  	s25 =	sadd.s32 s25, s5;
	s24 =	smul.u32 @!p0 $0x5, s24  }
0x116: {  	[hbm4b:s25+s3] =	stream.linear.scatter [tilespmem:s22], [sflag:$0x2], $0x400, $0x38;
	[tilespmem:$0x1CC00] =	vst v63  }
0x117: {  	s22 =	ssub.s32 @!p0 s23, s24  }
0x118: {  	s22 =	sand.u32 @!p0 $0xFF, s22  }
0x119: {  	s22 =	smul.u32 @!p0 $0x14000, s22  }
0x11a: {  	s23 =	smul.u32 @!p0 $0x280, s23  }
0x11b: {  	s21 =	sadd.s32 $0x1, s21;
	s22 =	sshrl.u32 @!p0 s22, $0x2  }
0x11c: {  	s24 =	simm.s32 @!p0 $0xA0;
	s23 =	sshra.s32 @!p0 s23, $0x2;
	s22 =	sadd.s32 @!p0 $0x2800, s22  }
0x11d: {  	[tilespmem:s22], [sflag:$0x1] =	stream.indirect.gather @!p0 [hbm4b:s2+s24], $0x80, s23, s24, $0xb8;
	[tilespmem:$0x1CC00] =	vst v63  }
0x11e: {  	p0 =	sne.s32 s21, $0x40  }
.Ltmp1:
0x11f: {  	_ = 	snop;
	(pc) =	sbr.rel @p0 .LBB2_2-.Ltmp1, $2  }
0x120: {  	_ =	sdelay $0x2  }
0x121: {  	s20 =	sadd.s32 $0x400, s20;
	s19 =	sadd.s32 $0x5000, s19  }
0x122: {  	_ =	swait.ge [sflag:s17], $0x400  }
0x123: {  	[sflag:s17] =	ssyncset.done $0x0  }
0x124: {  	[sflag:s17] =	ssyncadd.s32 $0xFFFFFC00  }
0x125: {  	_ =	swait.ge [sflag:s17], $0x400  }
0x126: {  	[sflag:s17] =	ssyncset.done $0x0  }
0x127: {  	[sflag:s17] =	ssyncadd.s32 $0xFFFFFC00  }
0x128: {  	_ =	swait.ge [sflag:s17], $0x400  }
0x129: {  	[sflag:s17] =	ssyncset.done $0x0  }
0x12a: {  	s18 =	sadd.s32 $0x1, s18;
	[sflag:s17] =	ssyncadd.s32 $0xFFFFFC00  }
0x12b: {  	p0 =	sne.s32 s18, s6;
	_ =	swait.ge [sflag:s17], $0x400  }
.Ltmp2:
0x12c: {  	[sflag:s17] =	ssyncset.done $0x0;
	(pc) =	sbr.rel @p0 .LBB2_1-.Ltmp2, $4  }
0x12d: {  	[sflag:s17] =	ssyncadd.s32 $0xFFFFFC00  }
0x12e: {  	_ =	swait.ge [sflag:s17], $0x400  }
0x12f: {  	[sflag:s17] =	ssyncset.done $0x0  }
0x130: {  	[sflag:s17] =	ssyncadd.s32 $0xFFFFFC00  }
0x131: {  	_ =	sfence.sel $0x180000  }
0x132: {  	[bflag:$0x0] =	sbarrier.arrive $0xFFFF  }
0x133: {  	p0 =	sne.s32 s0, $0x0;
	_ =	strace $0x90000047  }
0x134: {  	s0 =	sadd.s32 @!p0 $0x100000, s1;
	[bflag:$0x2] =	sbarrier.arrive $0xFFFF  }
0x135: {  	[sflag:s0] =	ssyncadd.tile.s32 @!p0 $0x1;
	_ =	shalt  }
.Lfunc_end2:
_tile_overlayer_lowered:
.L_overlay_start_2:
0x136: {  	(tag) =	ssettag $0x2  }
0x137: {  	s0 =	rddreg [dreg:$0x0];
	s2 =	stileid.u32  }
0x138: {  	s1 =	rddreg [dreg:$0x1];
	p0 =	sne.s32 s2, $0x0  }
0x139: {  	s3 =	rddreg [dreg:$0x2];
	[bflag:$0x3] =	sbarrier.arrive $0xFFFF;
	s2 =	simm.s32 @!p0 $0x1C03  }
0x13a: {  	[timem:s3], [sflag:s2] =	dma.local @!p0 [hbm:s0], s1  }
0x13b: {  	s0 =	simm.s32 @!p0 $0x3  }
0x13c: {  	_ =	swait.ge @!p0 [sflag:s0], s1  }
0x13d: {  	s1 =	ssub.s32 @!p0 $0x0, s1;
	[sflag:s0] =	ssyncset.done @!p0 $0x0  }
0x13e: {  	[sflag:s0] =	ssyncadd.s32 @!p0 s1  }
0x13f: {  	[bflag:$0x3] =	sbarrier.arrive $0xFFFF  }
0x140: {  	_ =	shalt  }

</sc_bundles>
